<compile_context>
chip_gen: v7x
topology: tpu7x:2x2x1
jax: 0.10.2.dev20260603
libtpu: 0.0.44.dev20260713+nightly
codegen_flags: <defaults>
</compile_context>

<pallas_src>
import functools

import jax
import jax.numpy as jnp
from jax import lax
from jax.experimental import pallas as pl
from jax.experimental.pallas import tpu as pltpu
from jax.experimental.pallas import tpu_sc as plsc

NUM_EXPERTS = 8
IN_DIM = 768
OUT_DIM = 768
B = 4096
T_LEN = 8

GBLK = 512
MBLK = 256
NBLK = B // MBLK + NUM_EXPERTS
PAD_B = NBLK * MBLK

SC_NC = 2
SC_NS = 16
SC_NW = SC_NC * SC_NS
CHUNK = B // SC_NW


def _gate_body(t_ref, Wg_ref, bg_ref, oh_ref):
    tm = jnp.mean(t_ref[...], axis=1)
    logits = lax.dot_general(
        tm, Wg_ref[...], (((1,), (1,)), ((), ())),
        preferred_element_type=jnp.float32) + bg_ref[...]
    mx = jnp.max(logits, axis=1, keepdims=True)
    eids = lax.broadcasted_iota(jnp.int32, logits.shape, 1)
    top1 = jnp.min(jnp.where(logits >= mx, eids, NUM_EXPERTS),
                   axis=1, keepdims=True)
    oh_ref[...] = (eids == top1).astype(jnp.int32)


def _gate_call(t, Wg, bg2):
    return pl.pallas_call(
        _gate_body,
        grid=(B // GBLK,),
        in_specs=[
            pl.BlockSpec((GBLK, T_LEN, OUT_DIM), lambda i: (i, 0, 0)),
            pl.BlockSpec((NUM_EXPERTS, OUT_DIM), lambda i: (0, 0)),
            pl.BlockSpec((1, NUM_EXPERTS), lambda i: (0, 0)),
        ],
        out_specs=pl.BlockSpec((GBLK, NUM_EXPERTS), lambda i: (i, 0)),
        out_shape=jax.ShapeDtypeStruct((B, NUM_EXPERTS), jnp.int32),
    )(t, Wg, bg2)


_MCH = 512


def _meta_body(oh_ref, pos_ref, bexp_ref, rank_ref):
    li = lax.broadcasted_iota(jnp.int32, (_MCH, _MCH), 0)
    lj = lax.broadcasted_iota(jnp.int32, (_MCH, _MCH), 1)
    Ltri = (lj < li).astype(jnp.float32)
    totals = jnp.zeros((1, NUM_EXPERTS), jnp.float32)
    for c in range(B // _MCH):
        oh = oh_ref[c * _MCH:(c + 1) * _MCH, :].astype(jnp.float32)
        rank_in = lax.dot_general(
            Ltri, oh, (((1,), (0,)), ((), ())),
            preferred_element_type=jnp.float32)
        rank_ref[c * _MCH:(c + 1) * _MCH, :] = rank_in + totals
        totals = totals + jnp.sum(oh, axis=0, keepdims=True)
    counts = totals.astype(jnp.int32)
    nb = (counts + (MBLK - 1)) // MBLK
    ia = lax.broadcasted_iota(jnp.int32, (NUM_EXPERTS, NUM_EXPERTS), 0)
    ib = lax.broadcasted_iota(jnp.int32, (NUM_EXPERTS, NUM_EXPERTS), 1)
    Uex = (ia < ib).astype(jnp.float32)
    exb = lax.dot_general(
        nb.astype(jnp.float32), Uex, (((1,), (0,)), ((), ())),
        preferred_element_type=jnp.float32)
    offsets = exb * float(MBLK)
    posf = rank_ref[...] + offsets
    pos_val = jnp.sum(oh_ref[...].astype(jnp.float32) * posf,
                      axis=1)
    pos_ref[...] = pos_val.astype(jnp.int32)
    cnb = exb + nb.astype(jnp.float32)
    jblk = lax.broadcasted_iota(jnp.int32, (1, 128), 1).astype(jnp.float32)
    bexp = jnp.zeros((1, 128), jnp.int32)
    for e in range(NUM_EXPERTS):
        ce = jnp.broadcast_to(cnb[:, e:e + 1], (1, 128))
        bexp = bexp + (jblk >= ce).astype(jnp.int32)
    bexp_ref[...] = bexp


def _meta_call(oh):
    return pl.pallas_call(
        _meta_body,
        out_shape=(
            jax.ShapeDtypeStruct((B,), jnp.int32),
            jax.ShapeDtypeStruct((1, 128), jnp.int32),
        ),
        scratch_shapes=[pltpu.VMEM((B, NUM_EXPERTS), jnp.float32)],
    )(oh)


def _mm_body(be_ref, xs_ref, W_ref, b_ref, o_ref):
    j = pl.program_id(0)
    e_raw = be_ref[0, j]
    e = jnp.minimum(e_raw, NUM_EXPERTS - 1)

    @pl.when(e_raw < NUM_EXPERTS)
    def _():
        w = W_ref[e]
        o_ref[...] = lax.dot_general(
            xs_ref[...], w, (((1,), (1,)), ((), ())),
            preferred_element_type=jnp.float32) + b_ref[e]


def _mm_call(be, xs, W, b3):
    grid_spec = pltpu.PrefetchScalarGridSpec(
        num_scalar_prefetch=1,
        grid=(NBLK,),
        in_specs=[
            pl.BlockSpec((MBLK, IN_DIM), lambda j, be_s: (j, 0)),
            pl.BlockSpec((NUM_EXPERTS, OUT_DIM, IN_DIM),
                         lambda j, be_s: (0, 0, 0)),
            pl.BlockSpec((NUM_EXPERTS, 1, OUT_DIM), lambda j, be_s: (0, 0, 0)),
        ],
        out_specs=pl.BlockSpec((MBLK, OUT_DIM), lambda j, be_s: (j, 0)),
    )
    return pl.pallas_call(
        _mm_body,
        grid_spec=grid_spec,
        out_shape=jax.ShapeDtypeStruct((PAD_B, OUT_DIM), jnp.float32),
    )(be, xs, W, b3)


@functools.lru_cache(maxsize=None)
def _sc_kernels():
    mesh = plsc.VectorSubcoreMesh(core_axis_name="c", subcore_axis_name="s")

    half = CHUNK // 2

    @functools.partial(
        pl.kernel,
        out_type=jax.ShapeDtypeStruct((PAD_B, IN_DIM), jnp.float32),
        mesh=mesh,
        scratch_types=[
            pltpu.VMEM((half,), jnp.int32),
            pltpu.VMEM((half,), jnp.int32),
            pltpu.VMEM((half, IN_DIM), jnp.float32),
            pltpu.VMEM((half, IN_DIM), jnp.float32),
            pltpu.SemaphoreType.DMA,
            pltpu.SemaphoreType.DMA,
        ],
    )
    def _scatter_rows(x_hbm, pos_hbm, out_hbm, idx0, idx1, rows0, rows1,
                      sem_l, sem_s):
        wid = lax.axis_index("s") * SC_NC + lax.axis_index("c")
        base = wid * CHUNK
        l0 = pltpu.async_copy(x_hbm.at[pl.ds(base, half), 0], rows0, sem_l)
        l1 = pltpu.async_copy(x_hbm.at[pl.ds(base + half, half), 0], rows1,
                              sem_l)
        pltpu.sync_copy(pos_hbm.at[pl.ds(base, half)], idx0)
        pltpu.sync_copy(pos_hbm.at[pl.ds(base + half, half)], idx1)
        l0.wait()
        s0 = pltpu.async_copy(rows0, out_hbm.at[idx0], sem_s)
        l1.wait()
        s1 = pltpu.async_copy(rows1, out_hbm.at[idx1], sem_s)
        s0.wait()
        s1.wait()

    @functools.partial(
        pl.kernel,
        out_type=jax.ShapeDtypeStruct((B, 1, OUT_DIM), jnp.float32),
        mesh=mesh,
        scratch_types=[
            pltpu.VMEM((half,), jnp.int32),
            pltpu.VMEM((half,), jnp.int32),
            pltpu.VMEM((half, OUT_DIM), jnp.float32),
            pltpu.VMEM((half, OUT_DIM), jnp.float32),
            pltpu.SemaphoreType.DMA,
        ],
    )
    def _gather_rows(y_hbm, pos_hbm, out_hbm, idx0, idx1, rows0, rows1, sem):
        wid = lax.axis_index("s") * SC_NC + lax.axis_index("c")
        base = wid * CHUNK
        pltpu.sync_copy(pos_hbm.at[pl.ds(base, half)], idx0)
        pltpu.sync_copy(pos_hbm.at[pl.ds(base + half, half)], idx1)
        g0 = pltpu.async_copy(y_hbm.at[idx0], rows0, sem)
        g1 = pltpu.async_copy(y_hbm.at[idx1], rows1, sem)
        g0.wait()
        pltpu.sync_copy(rows0, out_hbm.at[pl.ds(base, half), 0])
        g1.wait()
        pltpu.sync_copy(rows1, out_hbm.at[pl.ds(base + half, half), 0])

    return _scatter_rows, _gather_rows


def _scatter_call(x_flat, pos):
    return _sc_kernels()[0](x_flat, pos)


def _gather_call(ys, pos):
    return _sc_kernels()[1](ys, pos)


def kernel(x, t, W, b, Wg, bg):
    bg2 = bg.reshape(1, NUM_EXPERTS)
    b3 = b.reshape(NUM_EXPERTS, 1, OUT_DIM)
    oh = _gate_call(t, Wg, bg2)
    pos, bexp = _meta_call(oh)
    xs = _scatter_call(x, pos)
    ys = _mm_call(bexp, xs, W, b3)
    return _gather_call(ys, pos)

# --- scband reference (transcript-rebuilt; emitter-appended) ---
"""Pipeline reference for scband-mo-emapper-23098334118398 (READ-ONLY COPY).

The authoritative reference and input builder live on the scoring server;
editing this copy changes nothing except your own understanding.
"""

import jax, jax.numpy as jnp
import numpy as np

NUM_EXPERTS = 8
IN_DIM = 768
OUT_DIM = 768
B = 4096
T_LEN = 8


def setup_inputs(seed: int = 0) -> dict:
    key = jax.random.key(seed)
    ks = jax.random.split(key, 6)
    x = jax.random.normal(ks[0], (B, 1, IN_DIM), dtype=jnp.float32)
    t = jax.random.normal(ks[1], (B, T_LEN, OUT_DIM), dtype=jnp.float32)
    s_in = 1.0 / np.sqrt(IN_DIM)
    W = jax.random.uniform(ks[2], (NUM_EXPERTS, OUT_DIM, IN_DIM), minval=-s_in, maxval=s_in, dtype=jnp.float32)
    b = jax.random.uniform(ks[3], (NUM_EXPERTS, OUT_DIM), minval=-s_in, maxval=s_in, dtype=jnp.float32)
    s_g = 1.0 / np.sqrt(OUT_DIM)
    Wg = jax.random.uniform(ks[4], (NUM_EXPERTS, OUT_DIM), minval=-s_g, maxval=s_g, dtype=jnp.float32)
    bg = jax.random.uniform(ks[5], (NUM_EXPERTS,), minval=-s_g, maxval=s_g, dtype=jnp.float32)
    return {"x": x, "t": t, "W": W, "b": b, "Wg": Wg, "bg": bg}


def reference(x, t, W, b, Wg, bg):
    # Faithful translation of MoEMapper.forward
    Bn = x.shape[0]
    x_flat = jnp.squeeze(x, axis=1)                  # [B, in_dim]
    t_mean = jnp.mean(t, axis=1)                     # [B, out_dim]
    gate_logits = t_mean @ Wg.T + bg                 # text_gate Linear -> [B, E]
    top1_indices = jnp.argmax(gate_logits, axis=-1)  # [B]
    moe_out = jnp.zeros((Bn, OUT_DIM), dtype=x.dtype)
    for expert_id in range(NUM_EXPERTS):
        mask = (top1_indices == expert_id)           # [B]
        out_e = x_flat @ W[expert_id].T + b[expert_id]
        # masked scatter-overwrite: moe_out[mask] = experts[e](x_flat[mask])
        moe_out = jnp.where(mask[:, None], out_e, moe_out)
    return moe_out.reshape(Bn, 1, OUT_DIM)

if __name__ == "__main__":
    import jax
    _d = setup_inputs()
    print(jax.jit(kernel)(*tuple(_d.values())))

</pallas_src>

<mosaic_0001>
#map = affine_map<(d0, d1) -> (0, 0)>
#map1 = affine_map<(d0, d1) -> (0)>
#map2 = affine_map<(d0, d1) -> (0, 0, 0)>
module attributes {stable_mosaic.version = 14 : i64} {
  func.func @_gather_rows(%arg0: i32, %arg1: i32, %arg2: memref<6144x768xf32, #tpu.memory_space<hbm>>, %arg3: memref<4096xi32, #tpu.memory_space<hbm>>, %arg4: memref<4096x1x768xf32, #tpu.memory_space<hbm>>, %arg5: memref<64xi32, #tpu.memory_space<vmem>>, %arg6: memref<64xi32, #tpu.memory_space<vmem>>, %arg7: memref<64x768xf32, #tpu.memory_space<vmem>>, %arg8: memref<64x768xf32, #tpu.memory_space<vmem>>, %arg9: memref<!tpu.dma_semaphore, #tpu.memory_space<semaphore_mem>>) attributes {dimension_semantics = [#tpu.dimension_semantics<core_parallel>, #tpu.dimension_semantics<subcore_parallel>], iteration_bounds = array<i64: 2, 16>, scalar_prefetch = 0 : i64, scratch_operands = 5 : i64, tpu.core_type = #tpu.core_type<sc_vector_subcore>, window_params = [{transform_indices = #map}, {transform_indices = #map1}, {transform_indices = #map2}]} {
    %mul3A = arith.constant 2 : i32
    %mul3A_0 = arith.muli %arg1, %mul3A : i32
    %add3A = arith.addi %mul3A_0, %arg0 : i32
    %mul3A_1 = arith.constant 128 : i32
    %mul3A_2 = arith.muli %add3A, %mul3A_1 : i32
    "tpu.region"() ({
      %run_scoped3A_18 = tpu.sem_alloc : memref<!tpu.dma_semaphore, #tpu.memory_space<semaphore_mem>>
      %dma_start3A_19 = tpu.memref_slice %arg3[%mul3A_2] : memref<4096xi32, #tpu.memory_space<hbm>> -> memref<64xi32, #tpu.memory_space<hbm>>
      %dma_start3A_20 = tpu.memref_slice %arg3[%mul3A_2] : memref<4096xi32, #tpu.memory_space<hbm>> -> memref<64xi32, #tpu.memory_space<hbm>>
      tpu.enqueue_dma source(%dma_start3A_20 : memref<64xi32, #tpu.memory_space<hbm>>) target(%arg5 : memref<64xi32, #tpu.memory_space<vmem>>) target_semaphore(%run_scoped3A_18 : memref<!tpu.dma_semaphore, #tpu.memory_space<semaphore_mem>>)
      %dma_wait3A_21 = tpu.memref_slice %arg3[%mul3A_2] : memref<4096xi32, #tpu.memory_space<hbm>> -> memref<64xi32, #tpu.memory_space<hbm>>
      %dma_wait3A_22 = tpu.memref_slice %arg3[%mul3A_2] : memref<4096xi32, #tpu.memory_space<hbm>> -> memref<64xi32, #tpu.memory_space<hbm>>
      tpu.wait_dma2 semaphore(%run_scoped3A_18 : memref<!tpu.dma_semaphore, #tpu.memory_space<semaphore_mem>>) src(%dma_wait3A_22 : memref<64xi32, #tpu.memory_space<hbm>>) dst(%arg5 : memref<64xi32, #tpu.memory_space<vmem>>)
      tpu.yield
    }) : () -> ()
    %add3A_3 = arith.constant 64 : i32
    %add3A_4 = arith.addi %mul3A_2, %add3A_3 : i32
    "tpu.region"() ({
      %run_scoped3A_18 = tpu.sem_alloc : memref<!tpu.dma_semaphore, #tpu.memory_space<semaphore_mem>>
      %dma_start3A_19 = tpu.memref_slice %arg3[%add3A_4] : memref<4096xi32, #tpu.memory_space<hbm>> -> memref<64xi32, #tpu.memory_space<hbm>>
      %dma_start3A_20 = tpu.memref_slice %arg3[%add3A_4] : memref<4096xi32, #tpu.memory_space<hbm>> -> memref<64xi32, #tpu.memory_space<hbm>>
      tpu.enqueue_dma source(%dma_start3A_20 : memref<64xi32, #tpu.memory_space<hbm>>) target(%arg6 : memref<64xi32, #tpu.memory_space<vmem>>) target_semaphore(%run_scoped3A_18 : memref<!tpu.dma_semaphore, #tpu.memory_space<semaphore_mem>>)
      %dma_wait3A_21 = tpu.memref_slice %arg3[%add3A_4] : memref<4096xi32, #tpu.memory_space<hbm>> -> memref<64xi32, #tpu.memory_space<hbm>>
      %dma_wait3A_22 = tpu.memref_slice %arg3[%add3A_4] : memref<4096xi32, #tpu.memory_space<hbm>> -> memref<64xi32, #tpu.memory_space<hbm>>
      tpu.wait_dma2 semaphore(%run_scoped3A_18 : memref<!tpu.dma_semaphore, #tpu.memory_space<semaphore_mem>>) src(%dma_wait3A_22 : memref<64xi32, #tpu.memory_space<hbm>>) dst(%arg6 : memref<64xi32, #tpu.memory_space<vmem>>)
      tpu.yield
    }) : () -> ()
    %dma_start3A = arith.constant 0 : i32
    %dma_start3A_5 = arith.constant 0 : i32
    %dma_start3A_6 = tpu.memref_slice %arg2[%dma_start3A, %dma_start3A_5] : memref<6144x768xf32, #tpu.memory_space<hbm>> -> memref<6144x768xf32, #tpu.memory_space<hbm>>
    tpu.enqueue_indirect_dma source(%dma_start3A_6 : memref<6144x768xf32, #tpu.memory_space<hbm>>) target(%arg7 : memref<64x768xf32, #tpu.memory_space<vmem>>) offsets(%arg5 : memref<64xi32, #tpu.memory_space<vmem>>) semaphore(%arg9 : memref<!tpu.dma_semaphore, #tpu.memory_space<semaphore_mem>>)
    %dma_start3A_7 = arith.constant 0 : i32
    %dma_start3A_8 = arith.constant 0 : i32
    %dma_start3A_9 = tpu.memref_slice %arg2[%dma_start3A_7, %dma_start3A_8] : memref<6144x768xf32, #tpu.memory_space<hbm>> -> memref<6144x768xf32, #tpu.memory_space<hbm>>
    tpu.enqueue_indirect_dma source(%dma_start3A_9 : memref<6144x768xf32, #tpu.memory_space<hbm>>) target(%arg8 : memref<64x768xf32, #tpu.memory_space<vmem>>) offsets(%arg6 : memref<64xi32, #tpu.memory_space<vmem>>) semaphore(%arg9 : memref<!tpu.dma_semaphore, #tpu.memory_space<semaphore_mem>>)
    %dma_wait3A = arith.constant 0 : i32
    %dma_wait3A_10 = arith.constant 0 : i32
    %dma_wait3A_11 = tpu.memref_slice %arg2[%dma_wait3A, %dma_wait3A_10] : memref<6144x768xf32, #tpu.memory_space<hbm>> -> memref<6144x768xf32, #tpu.memory_space<hbm>>
    tpu.wait_indirect_dma semaphore(%arg9 : memref<!tpu.dma_semaphore, #tpu.memory_space<semaphore_mem>>) src(%dma_wait3A_11 : memref<6144x768xf32, #tpu.memory_space<hbm>>) dst(%arg7 : memref<64x768xf32, #tpu.memory_space<vmem>>)
    %run_scoped3A = arith.constant 0 : i32
    "tpu.region"() ({
      %run_scoped3A_18 = tpu.sem_alloc : memref<!tpu.dma_semaphore, #tpu.memory_space<semaphore_mem>>
      %dma_start3A_19 = arith.constant 0 : i32
      %dma_start3A_20 = tpu.memref_slice %arg4[%mul3A_2, %run_scoped3A, %dma_start3A_19] : memref<4096x1x768xf32, #tpu.memory_space<hbm>> -> memref<64x1x768xf32, #tpu.memory_space<hbm>>
      %dma_start3A_21 = tpu.memref_squeeze %dma_start3A_20 : memref<64x1x768xf32, #tpu.memory_space<hbm>> -> memref<64x768xf32, #tpu.memory_space<hbm>>
      %dma_start3A_22 = arith.constant 0 : i32
      %dma_start3A_23 = tpu.memref_slice %arg4[%mul3A_2, %run_scoped3A, %dma_start3A_22] : memref<4096x1x768xf32, #tpu.memory_space<hbm>> -> memref<64x1x768xf32, #tpu.memory_space<hbm>>
      %dma_start3A_24 = tpu.memref_squeeze %dma_start3A_23 : memref<64x1x768xf32, #tpu.memory_space<hbm>> -> memref<64x768xf32, #tpu.memory_space<hbm>>
      tpu.enqueue_dma source(%arg7 : memref<64x768xf32, #tpu.memory_space<vmem>>) target(%dma_start3A_24 : memref<64x768xf32, #tpu.memory_space<hbm>>) target_semaphore(%run_scoped3A_18 : memref<!tpu.dma_semaphore, #tpu.memory_space<semaphore_mem>>)
      %dma_wait3A_25 = arith.constant 0 : i32
      %dma_wait3A_26 = tpu.memref_slice %arg4[%mul3A_2, %run_scoped3A, %dma_wait3A_25] : memref<4096x1x768xf32, #tpu.memory_space<hbm>> -> memref<64x1x768xf32, #tpu.memory_space<hbm>>
      %dma_wait3A_27 = tpu.memref_squeeze %dma_wait3A_26 : memref<64x1x768xf32, #tpu.memory_space<hbm>> -> memref<64x768xf32, #tpu.memory_space<hbm>>
      %dma_wait3A_28 = arith.constant 0 : i32
      %dma_wait3A_29 = tpu.memref_slice %arg4[%mul3A_2, %run_scoped3A, %dma_wait3A_28] : memref<4096x1x768xf32, #tpu.memory_space<hbm>> -> memref<64x1x768xf32, #tpu.memory_space<hbm>>
      %dma_wait3A_30 = tpu.memref_squeeze %dma_wait3A_29 : memref<64x1x768xf32, #tpu.memory_space<hbm>> -> memref<64x768xf32, #tpu.memory_space<hbm>>
      tpu.wait_dma2 semaphore(%run_scoped3A_18 : memref<!tpu.dma_semaphore, #tpu.memory_space<semaphore_mem>>) src(%arg7 : memref<64x768xf32, #tpu.memory_space<vmem>>) dst(%dma_wait3A_30 : memref<64x768xf32, #tpu.memory_space<hbm>>)
      tpu.yield
    }) : () -> ()
    %dma_wait3A_12 = arith.constant 0 : i32
    %dma_wait3A_13 = arith.constant 0 : i32
    %dma_wait3A_14 = tpu.memref_slice %arg2[%dma_wait3A_12, %dma_wait3A_13] : memref<6144x768xf32, #tpu.memory_space<hbm>> -> memref<6144x768xf32, #tpu.memory_space<hbm>>
    tpu.wait_indirect_dma semaphore(%arg9 : memref<!tpu.dma_semaphore, #tpu.memory_space<semaphore_mem>>) src(%dma_wait3A_14 : memref<6144x768xf32, #tpu.memory_space<hbm>>) dst(%arg8 : memref<64x768xf32, #tpu.memory_space<vmem>>)
    %add3A_15 = arith.constant 64 : i32
    %add3A_16 = arith.addi %mul3A_2, %add3A_15 : i32
    %run_scoped3A_17 = arith.constant 0 : i32
    "tpu.region"() ({
      %run_scoped3A_18 = tpu.sem_alloc : memref<!tpu.dma_semaphore, #tpu.memory_space<semaphore_mem>>
      %dma_start3A_19 = arith.constant 0 : i32
      %dma_start3A_20 = tpu.memref_slice %arg4[%add3A_16, %run_scoped3A_17, %dma_start3A_19] : memref<4096x1x768xf32, #tpu.memory_space<hbm>> -> memref<64x1x768xf32, #tpu.memory_space<hbm>>
      %dma_start3A_21 = tpu.memref_squeeze %dma_start3A_20 : memref<64x1x768xf32, #tpu.memory_space<hbm>> -> memref<64x768xf32, #tpu.memory_space<hbm>>
      %dma_start3A_22 = arith.constant 0 : i32
      %dma_start3A_23 = tpu.memref_slice %arg4[%add3A_16, %run_scoped3A_17, %dma_start3A_22] : memref<4096x1x768xf32, #tpu.memory_space<hbm>> -> memref<64x1x768xf32, #tpu.memory_space<hbm>>
      %dma_start3A_24 = tpu.memref_squeeze %dma_start3A_23 : memref<64x1x768xf32, #tpu.memory_space<hbm>> -> memref<64x768xf32, #tpu.memory_space<hbm>>
      tpu.enqueue_dma source(%arg8 : memref<64x768xf32, #tpu.memory_space<vmem>>) target(%dma_start3A_24 : memref<64x768xf32, #tpu.memory_space<hbm>>) target_semaphore(%run_scoped3A_18 : memref<!tpu.dma_semaphore, #tpu.memory_space<semaphore_mem>>)
      %dma_wait3A_25 = arith.constant 0 : i32
      %dma_wait3A_26 = tpu.memref_slice %arg4[%add3A_16, %run_scoped3A_17, %dma_wait3A_25] : memref<4096x1x768xf32, #tpu.memory_space<hbm>> -> memref<64x1x768xf32, #tpu.memory_space<hbm>>
      %dma_wait3A_27 = tpu.memref_squeeze %dma_wait3A_26 : memref<64x1x768xf32, #tpu.memory_space<hbm>> -> memref<64x768xf32, #tpu.memory_space<hbm>>
      %dma_wait3A_28 = arith.constant 0 : i32
      %dma_wait3A_29 = tpu.memref_slice %arg4[%add3A_16, %run_scoped3A_17, %dma_wait3A_28] : memref<4096x1x768xf32, #tpu.memory_space<hbm>> -> memref<64x1x768xf32, #tpu.memory_space<hbm>>
      %dma_wait3A_30 = tpu.memref_squeeze %dma_wait3A_29 : memref<64x1x768xf32, #tpu.memory_space<hbm>> -> memref<64x768xf32, #tpu.memory_space<hbm>>
      tpu.wait_dma2 semaphore(%run_scoped3A_18 : memref<!tpu.dma_semaphore, #tpu.memory_space<semaphore_mem>>) src(%arg8 : memref<64x768xf32, #tpu.memory_space<vmem>>) dst(%dma_wait3A_30 : memref<64x768xf32, #tpu.memory_space<hbm>>)
      tpu.yield
    }) : () -> ()
    return
  }
}

#map = affine_map<(d0, d1) -> (0, 0, 0)>
#map1 = affine_map<(d0, d1) -> (0)>
#map2 = affine_map<(d0, d1) -> (0, 0)>
module attributes {stable_mosaic.version = 14 : i64} {
  func.func @_scatter_rows(%arg0: i32, %arg1: i32, %arg2: memref<4096x1x768xf32, #tpu.memory_space<hbm>>, %arg3: memref<4096xi32, #tpu.memory_space<hbm>>, %arg4: memref<6144x768xf32, #tpu.memory_space<hbm>>, %arg5: memref<64xi32, #tpu.memory_space<vmem>>, %arg6: memref<64xi32, #tpu.memory_space<vmem>>, %arg7: memref<64x768xf32, #tpu.memory_space<vmem>>, %arg8: memref<64x768xf32, #tpu.memory_space<vmem>>, %arg9: memref<!tpu.dma_semaphore, #tpu.memory_space<semaphore_mem>>, %arg10: memref<!tpu.dma_semaphore, #tpu.memory_space<semaphore_mem>>) attributes {dimension_semantics = [#tpu.dimension_semantics<core_parallel>, #tpu.dimension_semantics<subcore_parallel>], iteration_bounds = array<i64: 2, 16>, scalar_prefetch = 0 : i64, scratch_operands = 6 : i64, tpu.core_type = #tpu.core_type<sc_vector_subcore>, window_params = [{transform_indices = #map}, {transform_indices = #map1}, {transform_indices = #map2}]} {
    %mul3A = arith.constant 2 : i32
    %mul3A_0 = arith.muli %arg1, %mul3A : i32
    %add3A = arith.addi %mul3A_0, %arg0 : i32
    %mul3A_1 = arith.constant 128 : i32
    %mul3A_2 = arith.muli %add3A, %mul3A_1 : i32
    %dma_start3A = arith.constant 0 : i32
    %dma_start3A_3 = arith.constant 0 : i32
    %dma_start3A_4 = tpu.memref_slice %arg2[%mul3A_2, %dma_start3A, %dma_start3A_3] : memref<4096x1x768xf32, #tpu.memory_space<hbm>> -> memref<64x1x768xf32, #tpu.memory_space<hbm>>
    %dma_start3A_5 = tpu.memref_squeeze %dma_start3A_4 : memref<64x1x768xf32, #tpu.memory_space<hbm>> -> memref<64x768xf32, #tpu.memory_space<hbm>>
    %dma_start3A_6 = arith.constant 0 : i32
    %dma_start3A_7 = tpu.memref_slice %arg2[%mul3A_2, %dma_start3A, %dma_start3A_6] : memref<4096x1x768xf32, #tpu.memory_space<hbm>> -> memref<64x1x768xf32, #tpu.memory_space<hbm>>
    %dma_start3A_8 = tpu.memref_squeeze %dma_start3A_7 : memref<64x1x768xf32, #tpu.memory_space<hbm>> -> memref<64x768xf32, #tpu.memory_space<hbm>>
    tpu.enqueue_dma source(%dma_start3A_8 : memref<64x768xf32, #tpu.memory_space<hbm>>) target(%arg7 : memref<64x768xf32, #tpu.memory_space<vmem>>) target_semaphore(%arg9 : memref<!tpu.dma_semaphore, #tpu.memory_space<semaphore_mem>>)
    %add3A_9 = arith.constant 64 : i32
    %add3A_10 = arith.addi %mul3A_2, %add3A_9 : i32
    %dma_start3A_11 = arith.constant 0 : i32
    %dma_start3A_12 = arith.constant 0 : i32
    %dma_start3A_13 = tpu.memref_slice %arg2[%add3A_10, %dma_start3A_11, %dma_start3A_12] : memref<4096x1x768xf32, #tpu.memory_space<hbm>> -> memref<64x1x768xf32, #tpu.memory_space<hbm>>
    %dma_start3A_14 = tpu.memref_squeeze %dma_start3A_13 : memref<64x1x768xf32, #tpu.memory_space<hbm>> -> memref<64x768xf32, #tpu.memory_space<hbm>>
    %dma_start3A_15 = arith.constant 0 : i32
    %dma_start3A_16 = tpu.memref_slice %arg2[%add3A_10, %dma_start3A_11, %dma_start3A_15] : memref<4096x1x768xf32, #tpu.memory_space<hbm>> -> memref<64x1x768xf32, #tpu.memory_space<hbm>>
    %dma_start3A_17 = tpu.memref_squeeze %dma_start3A_16 : memref<64x1x768xf32, #tpu.memory_space<hbm>> -> memref<64x768xf32, #tpu.memory_space<hbm>>
    tpu.enqueue_dma source(%dma_start3A_17 : memref<64x768xf32, #tpu.memory_space<hbm>>) target(%arg8 : memref<64x768xf32, #tpu.memory_space<vmem>>) target_semaphore(%arg9 : memref<!tpu.dma_semaphore, #tpu.memory_space<semaphore_mem>>)
    "tpu.region"() ({
      %run_scoped3A = tpu.sem_alloc : memref<!tpu.dma_semaphore, #tpu.memory_space<semaphore_mem>>
      %dma_start3A_45 = tpu.memref_slice %arg3[%mul3A_2] : memref<4096xi32, #tpu.memory_space<hbm>> -> memref<64xi32, #tpu.memory_space<hbm>>
      %dma_start3A_46 = tpu.memref_slice %arg3[%mul3A_2] : memref<4096xi32, #tpu.memory_space<hbm>> -> memref<64xi32, #tpu.memory_space<hbm>>
      tpu.enqueue_dma source(%dma_start3A_46 : memref<64xi32, #tpu.memory_space<hbm>>) target(%arg5 : memref<64xi32, #tpu.memory_space<vmem>>) target_semaphore(%run_scoped3A : memref<!tpu.dma_semaphore, #tpu.memory_space<semaphore_mem>>)
      %dma_wait3A_47 = tpu.memref_slice %arg3[%mul3A_2] : memref<4096xi32, #tpu.memory_space<hbm>> -> memref<64xi32, #tpu.memory_space<hbm>>
      %dma_wait3A_48 = tpu.memref_slice %arg3[%mul3A_2] : memref<4096xi32, #tpu.memory_space<hbm>> -> memref<64xi32, #tpu.memory_space<hbm>>
      tpu.wait_dma2 semaphore(%run_scoped3A : memref<!tpu.dma_semaphore, #tpu.memory_space<semaphore_mem>>) src(%dma_wait3A_48 : memref<64xi32, #tpu.memory_space<hbm>>) dst(%arg5 : memref<64xi32, #tpu.memory_space<vmem>>)
      tpu.yield
    }) : () -> ()
    %add3A_18 = arith.constant 64 : i32
    %add3A_19 = arith.addi %mul3A_2, %add3A_18 : i32
    "tpu.region"() ({
      %run_scoped3A = tpu.sem_alloc : memref<!tpu.dma_semaphore, #tpu.memory_space<semaphore_mem>>
      %dma_start3A_45 = tpu.memref_slice %arg3[%add3A_19] : memref<4096xi32, #tpu.memory_space<hbm>> -> memref<64xi32, #tpu.memory_space<hbm>>
      %dma_start3A_46 = tpu.memref_slice %arg3[%add3A_19] : memref<4096xi32, #tpu.memory_space<hbm>> -> memref<64xi32, #tpu.memory_space<hbm>>
      tpu.enqueue_dma source(%dma_start3A_46 : memref<64xi32, #tpu.memory_space<hbm>>) target(%arg6 : memref<64xi32, #tpu.memory_space<vmem>>) target_semaphore(%run_scoped3A : memref<!tpu.dma_semaphore, #tpu.memory_space<semaphore_mem>>)
      %dma_wait3A_47 = tpu.memref_slice %arg3[%add3A_19] : memref<4096xi32, #tpu.memory_space<hbm>> -> memref<64xi32, #tpu.memory_space<hbm>>
      %dma_wait3A_48 = tpu.memref_slice %arg3[%add3A_19] : memref<4096xi32, #tpu.memory_space<hbm>> -> memref<64xi32, #tpu.memory_space<hbm>>
      tpu.wait_dma2 semaphore(%run_scoped3A : memref<!tpu.dma_semaphore, #tpu.memory_space<semaphore_mem>>) src(%dma_wait3A_48 : memref<64xi32, #tpu.memory_space<hbm>>) dst(%arg6 : memref<64xi32, #tpu.memory_space<vmem>>)
      tpu.yield
    }) : () -> ()
    %dma_wait3A = arith.constant 0 : i32
    %dma_wait3A_20 = arith.constant 0 : i32
    %dma_wait3A_21 = tpu.memref_slice %arg2[%mul3A_2, %dma_wait3A, %dma_wait3A_20] : memref<4096x1x768xf32, #tpu.memory_space<hbm>> -> memref<64x1x768xf32, #tpu.memory_space<hbm>>
    %dma_wait3A_22 = tpu.memref_squeeze %dma_wait3A_21 : memref<64x1x768xf32, #tpu.memory_space<hbm>> -> memref<64x768xf32, #tpu.memory_space<hbm>>
    %dma_wait3A_23 = arith.constant 0 : i32
    %dma_wait3A_24 = tpu.memref_slice %arg2[%mul3A_2, %dma_wait3A, %dma_wait3A_23] : memref<4096x1x768xf32, #tpu.memory_space<hbm>> -> memref<64x1x768xf32, #tpu.memory_space<hbm>>
    %dma_wait3A_25 = tpu.memref_squeeze %dma_wait3A_24 : memref<64x1x768xf32, #tpu.memory_space<hbm>> -> memref<64x768xf32, #tpu.memory_space<hbm>>
    tpu.wait_dma2 semaphore(%arg9 : memref<!tpu.dma_semaphore, #tpu.memory_space<semaphore_mem>>) src(%dma_wait3A_25 : memref<64x768xf32, #tpu.memory_space<hbm>>) dst(%arg7 : memref<64x768xf32, #tpu.memory_space<vmem>>)
    %dma_start3A_26 = arith.constant 0 : i32
    %dma_start3A_27 = arith.constant 0 : i32
    %dma_start3A_28 = tpu.memref_slice %arg4[%dma_start3A_26, %dma_start3A_27] : memref<6144x768xf32, #tpu.memory_space<hbm>> -> memref<6144x768xf32, #tpu.memory_space<hbm>>
    tpu.enqueue_indirect_dma source(%arg7 : memref<64x768xf32, #tpu.memory_space<vmem>>) target(%dma_start3A_28 : memref<6144x768xf32, #tpu.memory_space<hbm>>) offsets(%arg5 : memref<64xi32, #tpu.memory_space<vmem>>) semaphore(%arg10 : memref<!tpu.dma_semaphore, #tpu.memory_space<semaphore_mem>>)
    %dma_wait3A_29 = arith.constant 0 : i32
    %dma_wait3A_30 = arith.constant 0 : i32
    %dma_wait3A_31 = tpu.memref_slice %arg2[%add3A_10, %dma_wait3A_29, %dma_wait3A_30] : memref<4096x1x768xf32, #tpu.memory_space<hbm>> -> memref<64x1x768xf32, #tpu.memory_space<hbm>>
    %dma_wait3A_32 = tpu.memref_squeeze %dma_wait3A_31 : memref<64x1x768xf32, #tpu.memory_space<hbm>> -> memref<64x768xf32, #tpu.memory_space<hbm>>
    %dma_wait3A_33 = arith.constant 0 : i32
    %dma_wait3A_34 = tpu.memref_slice %arg2[%add3A_10, %dma_wait3A_29, %dma_wait3A_33] : memref<4096x1x768xf32, #tpu.memory_space<hbm>> -> memref<64x1x768xf32, #tpu.memory_space<hbm>>
    %dma_wait3A_35 = tpu.memref_squeeze %dma_wait3A_34 : memref<64x1x768xf32, #tpu.memory_space<hbm>> -> memref<64x768xf32, #tpu.memory_space<hbm>>
    tpu.wait_dma2 semaphore(%arg9 : memref<!tpu.dma_semaphore, #tpu.memory_space<semaphore_mem>>) src(%dma_wait3A_35 : memref<64x768xf32, #tpu.memory_space<hbm>>) dst(%arg8 : memref<64x768xf32, #tpu.memory_space<vmem>>)
    %dma_start3A_36 = arith.constant 0 : i32
    %dma_start3A_37 = arith.constant 0 : i32
    %dma_start3A_38 = tpu.memref_slice %arg4[%dma_start3A_36, %dma_start3A_37] : memref<6144x768xf32, #tpu.memory_space<hbm>> -> memref<6144x768xf32, #tpu.memory_space<hbm>>
    tpu.enqueue_indirect_dma source(%arg8 : memref<64x768xf32, #tpu.memory_space<vmem>>) target(%dma_start3A_38 : memref<6144x768xf32, #tpu.memory_space<hbm>>) offsets(%arg6 : memref<64xi32, #tpu.memory_space<vmem>>) semaphore(%arg10 : memref<!tpu.dma_semaphore, #tpu.memory_space<semaphore_mem>>)
    %dma_wait3A_39 = arith.constant 0 : i32
    %dma_wait3A_40 = arith.constant 0 : i32
    %dma_wait3A_41 = tpu.memref_slice %arg4[%dma_wait3A_39, %dma_wait3A_40] : memref<6144x768xf32, #tpu.memory_space<hbm>> -> memref<6144x768xf32, #tpu.memory_space<hbm>>
    tpu.wait_indirect_dma semaphore(%arg10 : memref<!tpu.dma_semaphore, #tpu.memory_space<semaphore_mem>>) src(%arg7 : memref<64x768xf32, #tpu.memory_space<vmem>>) dst(%dma_wait3A_41 : memref<6144x768xf32, #tpu.memory_space<hbm>>)
    %dma_wait3A_42 = arith.constant 0 : i32
    %dma_wait3A_43 = arith.constant 0 : i32
    %dma_wait3A_44 = tpu.memref_slice %arg4[%dma_wait3A_42, %dma_wait3A_43] : memref<6144x768xf32, #tpu.memory_space<hbm>> -> memref<6144x768xf32, #tpu.memory_space<hbm>>
    tpu.wait_indirect_dma semaphore(%arg10 : memref<!tpu.dma_semaphore, #tpu.memory_space<semaphore_mem>>) src(%arg8 : memref<64x768xf32, #tpu.memory_space<vmem>>) dst(%dma_wait3A_44 : memref<6144x768xf32, #tpu.memory_space<hbm>>)
    return
  }
}

module attributes {stable_mosaic.version = 14 : i64} {
  func.func @_mm_body(%arg0: i32, %arg1: memref<1x128xi32, #tpu.memory_space<smem>>, %arg2: memref<256x768xf32, #tpu.memory_space<vmem>>, %arg3: memref<8x768x768xf32, #tpu.memory_space<vmem>>, %arg4: memref<8x1x768xf32, #tpu.memory_space<vmem>>, %arg5: memref<256x768xf32, #tpu.memory_space<vmem>>) attributes {dimension_semantics = [#tpu.dimension_semantics<arbitrary>], iteration_bounds = array<i64: 24>, scalar_prefetch = 1 : i64, scratch_operands = 0 : i64, tpu.core_type = #tpu.core_type<tc>, window_params = [{transform_indices = @transform_0, window_bounds = array<i64: 256, 768>}, {pipeline_mode = #tpu.pipeline_mode<synchronous>, transform_indices = @transform_1, window_bounds = array<i64: 8, 768, 768>}, {pipeline_mode = #tpu.pipeline_mode<synchronous>, transform_indices = @transform_2, window_bounds = array<i64: 8, 1, 768>}, {transform_indices = @transform_3, window_bounds = array<i64: 256, 768>}]} {
    %get3A = arith.constant 0 : index
    %get3A_0 = arith.index_cast %arg0 : i32 to index
    %get3A_1 = memref.load %arg1[%get3A, %get3A_0] : memref<1x128xi32, #tpu.memory_space<smem>>
    %min3A = arith.constant 7 : i32
    %min3A_2 = arith.minsi %get3A_1, %min3A : i32
    %lt3A = arith.constant 8 : i32
    %lt3A_3 = arith.cmpi slt, %get3A_1, %lt3A : i32
    %convert_element_type3A = arith.extui %lt3A_3 : i1 to i32
    %cond3A = arith.constant 0 : i32
    %cond3A_4 = arith.cmpi ne, %convert_element_type3A, %cond3A : i32
    scf.if %cond3A_4 {
      %get3A_5 = arith.index_cast %min3A_2 : i32 to index
      %get3A_6 = arith.constant 0 : index
      %get3A_7 = arith.constant 0 : index
      %get3A_8 = vector.load %arg3[%get3A_5, %get3A_6, %get3A_7] : memref<8x768x768xf32, #tpu.memory_space<vmem>>, vector<1x768x768xf32>
      %get3A_9 = vector.shape_cast %get3A_8 : vector<1x768x768xf32> to vector<768x768xf32>
      %get3A_10 = arith.constant 0 : index
      %get3A_11 = arith.constant 0 : index
      %get3A_12 = vector.load %arg2[%get3A_10, %get3A_11] : memref<256x768xf32, #tpu.memory_space<vmem>>, vector<256x768xf32>
      %dot_general3A = arith.constant dense<0.000000e+00> : vector<256x768xf32>
      %dot_general3A_13 = tpu.matmul %get3A_12, %get3A_9, %dot_general3A {dimension_numbers = #tpu.dot_dimension_numbers<[1], [1], [0], [0], [0, 0, 1, 0], [], []>, transpose_lhs_hint = false} : vector<256x768xf32>, vector<768x768xf32>, vector<256x768xf32> -> vector<256x768xf32>
      %get3A_14 = arith.index_cast %min3A_2 : i32 to index
      %get3A_15 = arith.constant 0 : index
      %get3A_16 = arith.constant 0 : index
      %get3A_17 = vector.load %arg4[%get3A_14, %get3A_15, %get3A_16] : memref<8x1x768xf32, #tpu.memory_space<vmem>>, vector<1x1x768xf32>
      %get3A_18 = vector.shape_cast %get3A_17 : vector<1x1x768xf32> to vector<1x768xf32>
      %add3A = vector.broadcast %get3A_18 : vector<1x768xf32> to vector<256x768xf32>
      %add3A_19 = arith.addf %dot_general3A_13, %add3A : vector<256x768xf32>
      %swap3A = arith.constant 0 : index
      %swap3A_20 = arith.constant 0 : index
      %swap3A_21 = vector.load %arg5[%swap3A, %swap3A_20] : memref<256x768xf32, #tpu.memory_space<vmem>>, vector<256x768xf32>
      tpu.vector_store %arg5[%swap3A, %swap3A_20], %add3A_19 {strides = array<i32>} : memref<256x768xf32, #tpu.memory_space<vmem>>, vector<256x768xf32>,
    } else {
    }
    return
  }
  func.func @transform_0(%arg0: i32, %arg1: memref<1x128xi32, #tpu.memory_space<smem>>) -> (i32, i32) {
    %c0_i32 = arith.constant 0 : i32
    %c0_i32_0 = arith.constant 0 : i32
    return %arg0, %c0_i32 : i32, i32
  }
  func.func @transform_1(%arg0: i32, %arg1: memref<1x128xi32, #tpu.memory_space<smem>>) -> (i32, i32, i32) {
    %c0_i32 = arith.constant 0 : i32
    %c0_i32_0 = arith.constant 0 : i32
    %c0_i32_1 = arith.constant 0 : i32
    %c0_i32_2 = arith.constant 0 : i32
    return %c0_i32, %c0_i32_0, %c0_i32_1 : i32, i32, i32
  }
  func.func @transform_2(%arg0: i32, %arg1: memref<1x128xi32, #tpu.memory_space<smem>>) -> (i32, i32, i32) {
    %c0_i32 = arith.constant 0 : i32
    %c0_i32_0 = arith.constant 0 : i32
    %c0_i32_1 = arith.constant 0 : i32
    %c0_i32_2 = arith.constant 0 : i32
    return %c0_i32, %c0_i32_0, %c0_i32_1 : i32, i32, i32
  }
  func.func @transform_3(%arg0: i32, %arg1: memref<1x128xi32, #tpu.memory_space<smem>>) -> (i32, i32) {
    %c0_i32 = arith.constant 0 : i32
    %c0_i32_0 = arith.constant 0 : i32
    return %arg0, %c0_i32 : i32, i32
  }
}

module attributes {stable_mosaic.version = 14 : i64} {
  func.func @_meta_body(%arg0: memref<4096x8xi32, #tpu.memory_space<vmem>>, %arg1: memref<4096xi32, #tpu.memory_space<vmem>>, %arg2: memref<1x128xi32, #tpu.memory_space<vmem>>, %arg3: memref<4096x8xf32, #tpu.memory_space<vmem>>) attributes {dimension_semantics = [], scalar_prefetch = 0 : i64, scratch_operands = 1 : i64, tpu.core_type = #tpu.core_type<tc>} {
    %iota3A = tpu.iota {dimensions = array<i32: 0>} : vector<512x512xi32>
    %iota3A_0 = tpu.iota {dimensions = array<i32: 1>} : vector<512x512xi32>
    %lt3A = arith.cmpi slt, %iota3A_0, %iota3A : vector<512x512xi32>
    %convert_element_type3A = arith.extui %lt3A : vector<512x512xi1> to vector<512x512xi32>
    %convert_element_type3A_1 = arith.sitofp %convert_element_type3A : vector<512x512xi32> to vector<512x512xf32>
    %broadcast_in_dim3A = arith.constant 0.000000e+00 : f32
    %broadcast_in_dim3A_2 = vector.broadcast %broadcast_in_dim3A : f32 to vector<1x8xf32>
    %get3A = arith.constant 0 : index
    %get3A_3 = arith.constant 0 : index
    %get3A_4 = vector.load %arg0[%get3A, %get3A_3] : memref<4096x8xi32, #tpu.memory_space<vmem>>, vector<512x8xi32>
    %convert_element_type3A_5 = arith.sitofp %get3A_4 : vector<512x8xi32> to vector<512x8xf32>
    %dot_general3A = arith.constant dense<0.000000e+00> : vector<512x8xf32>
    %dot_general3A_6 = tpu.matmul %convert_element_type3A_1, %convert_element_type3A_5, %dot_general3A {dimension_numbers = #tpu.dot_dimension_numbers<[1], [0], [0], [1], [0, 0, 1, 1], [], []>, transpose_lhs_hint = false} : vector<512x512xf32>, vector<512x8xf32>, vector<512x8xf32> -> vector<512x8xf32>
    %add3A = vector.broadcast %broadcast_in_dim3A_2 : vector<1x8xf32> to vector<512x8xf32>
    %add3A_7 = arith.addf %dot_general3A_6, %add3A : vector<512x8xf32>
    %swap3A = arith.constant 0 : index
    %swap3A_8 = arith.constant 0 : index
    %swap3A_9 = vector.load %arg3[%swap3A, %swap3A_8] : memref<4096x8xf32, #tpu.memory_space<vmem>>, vector<512x8xf32>
    tpu.vector_store %arg3[%swap3A, %swap3A_8], %add3A_7 {strides = array<i32>} : memref<4096x8xf32, #tpu.memory_space<vmem>>, vector<512x8xf32>,
    %reduce_sum3A = arith.constant dense<0.000000e+00> : vector<8xf32>
    %reduce_sum3A_10 = vector.multi_reduction <add>, %convert_element_type3A_5, %reduce_sum3A [0] : vector<512x8xf32> to vector<8xf32>
    %broadcast_in_dim3A_11 = vector.shape_cast %reduce_sum3A_10 : vector<8xf32> to vector<1x8xf32>
    %add3A_12 = arith.addf %broadcast_in_dim3A_2, %broadcast_in_dim3A_11 : vector<1x8xf32>
    %get3A_13 = arith.constant 512 : index
    %get3A_14 = arith.constant 0 : index
    %get3A_15 = vector.load %arg0[%get3A_13, %get3A_14] : memref<4096x8xi32, #tpu.memory_space<vmem>>, vector<512x8xi32>
    %convert_element_type3A_16 = arith.sitofp %get3A_15 : vector<512x8xi32> to vector<512x8xf32>
    %dot_general3A_17 = arith.constant dense<0.000000e+00> : vector<512x8xf32>
    %dot_general3A_18 = tpu.matmul %convert_element_type3A_1, %convert_element_type3A_16, %dot_general3A_17 {dimension_numbers = #tpu.dot_dimension_numbers<[1], [0], [0], [1], [0, 0, 1, 1], [], []>, transpose_lhs_hint = false} : vector<512x512xf32>, vector<512x8xf32>, vector<512x8xf32> -> vector<512x8xf32>
    %add3A_19 = vector.broadcast %add3A_12 : vector<1x8xf32> to vector<512x8xf32>
    %add3A_20 = arith.addf %dot_general3A_18, %add3A_19 : vector<512x8xf32>
    %swap3A_21 = arith.constant 512 : index
    %swap3A_22 = arith.constant 0 : index
    %swap3A_23 = vector.load %arg3[%swap3A_21, %swap3A_22] : memref<4096x8xf32, #tpu.memory_space<vmem>>, vector<512x8xf32>
    tpu.vector_store %arg3[%swap3A_21, %swap3A_22], %add3A_20 {strides = array<i32>} : memref<4096x8xf32, #tpu.memory_space<vmem>>, vector<512x8xf32>,
    %reduce_sum3A_24 = arith.constant dense<0.000000e+00> : vector<8xf32>
    %reduce_sum3A_25 = vector.multi_reduction <add>, %convert_element_type3A_16, %reduce_sum3A_24 [0] : vector<512x8xf32> to vector<8xf32>
    %broadcast_in_dim3A_26 = vector.shape_cast %reduce_sum3A_25 : vector<8xf32> to vector<1x8xf32>
    %add3A_27 = arith.addf %add3A_12, %broadcast_in_dim3A_26 : vector<1x8xf32>
    %get3A_28 = arith.constant 1024 : index
    %get3A_29 = arith.constant 0 : index
    %get3A_30 = vector.load %arg0[%get3A_28, %get3A_29] : memref<4096x8xi32, #tpu.memory_space<vmem>>, vector<512x8xi32>
    %convert_element_type3A_31 = arith.sitofp %get3A_30 : vector<512x8xi32> to vector<512x8xf32>
    %dot_general3A_32 = arith.constant dense<0.000000e+00> : vector<512x8xf32>
    %dot_general3A_33 = tpu.matmul %convert_element_type3A_1, %convert_element_type3A_31, %dot_general3A_32 {dimension_numbers = #tpu.dot_dimension_numbers<[1], [0], [0], [1], [0, 0, 1, 1], [], []>, transpose_lhs_hint = false} : vector<512x512xf32>, vector<512x8xf32>, vector<512x8xf32> -> vector<512x8xf32>
    %add3A_34 = vector.broadcast %add3A_27 : vector<1x8xf32> to vector<512x8xf32>
    %add3A_35 = arith.addf %dot_general3A_33, %add3A_34 : vector<512x8xf32>
    %swap3A_36 = arith.constant 1024 : index
    %swap3A_37 = arith.constant 0 : index
    %swap3A_38 = vector.load %arg3[%swap3A_36, %swap3A_37] : memref<4096x8xf32, #tpu.memory_space<vmem>>, vector<512x8xf32>
    tpu.vector_store %arg3[%swap3A_36, %swap3A_37], %add3A_35 {strides = array<i32>} : memref<4096x8xf32, #tpu.memory_space<vmem>>, vector<512x8xf32>,
    %reduce_sum3A_39 = arith.constant dense<0.000000e+00> : vector<8xf32>
    %reduce_sum3A_40 = vector.multi_reduction <add>, %convert_element_type3A_31, %reduce_sum3A_39 [0] : vector<512x8xf32> to vector<8xf32>
    %broadcast_in_dim3A_41 = vector.shape_cast %reduce_sum3A_40 : vector<8xf32> to vector<1x8xf32>
    %add3A_42 = arith.addf %add3A_27, %broadcast_in_dim3A_41 : vector<1x8xf32>
    %get3A_43 = arith.constant 1536 : index
    %get3A_44 = arith.constant 0 : index
    %get3A_45 = vector.load %arg0[%get3A_43, %get3A_44] : memref<4096x8xi32, #tpu.memory_space<vmem>>, vector<512x8xi32>
    %convert_element_type3A_46 = arith.sitofp %get3A_45 : vector<512x8xi32> to vector<512x8xf32>
    %dot_general3A_47 = arith.constant dense<0.000000e+00> : vector<512x8xf32>
    %dot_general3A_48 = tpu.matmul %convert_element_type3A_1, %convert_element_type3A_46, %dot_general3A_47 {dimension_numbers = #tpu.dot_dimension_numbers<[1], [0], [0], [1], [0, 0, 1, 1], [], []>, transpose_lhs_hint = false} : vector<512x512xf32>, vector<512x8xf32>, vector<512x8xf32> -> vector<512x8xf32>
    %add3A_49 = vector.broadcast %add3A_42 : vector<1x8xf32> to vector<512x8xf32>
    %add3A_50 = arith.addf %dot_general3A_48, %add3A_49 : vector<512x8xf32>
    %swap3A_51 = arith.constant 1536 : index
    %swap3A_52 = arith.constant 0 : index
    %swap3A_53 = vector.load %arg3[%swap3A_51, %swap3A_52] : memref<4096x8xf32, #tpu.memory_space<vmem>>, vector<512x8xf32>
    tpu.vector_store %arg3[%swap3A_51, %swap3A_52], %add3A_50 {strides = array<i32>} : memref<4096x8xf32, #tpu.memory_space<vmem>>, vector<512x8xf32>,
    %reduce_sum3A_54 = arith.constant dense<0.000000e+00> : vector<8xf32>
    %reduce_sum3A_55 = vector.multi_reduction <add>, %convert_element_type3A_46, %reduce_sum3A_54 [0] : vector<512x8xf32> to vector<8xf32>
    %broadcast_in_dim3A_56 = vector.shape_cast %reduce_sum3A_55 : vector<8xf32> to vector<1x8xf32>
    %add3A_57 = arith.addf %add3A_42, %broadcast_in_dim3A_56 : vector<1x8xf32>
    %get3A_58 = arith.constant 2048 : index
    %get3A_59 = arith.constant 0 : index
    %get3A_60 = vector.load %arg0[%get3A_58, %get3A_59] : memref<4096x8xi32, #tpu.memory_space<vmem>>, vector<512x8xi32>
    %convert_element_type3A_61 = arith.sitofp %get3A_60 : vector<512x8xi32> to vector<512x8xf32>
    %dot_general3A_62 = arith.constant dense<0.000000e+00> : vector<512x8xf32>
    %dot_general3A_63 = tpu.matmul %convert_element_type3A_1, %convert_element_type3A_61, %dot_general3A_62 {dimension_numbers = #tpu.dot_dimension_numbers<[1], [0], [0], [1], [0, 0, 1, 1], [], []>, transpose_lhs_hint = false} : vector<512x512xf32>, vector<512x8xf32>, vector<512x8xf32> -> vector<512x8xf32>
    %add3A_64 = vector.broadcast %add3A_57 : vector<1x8xf32> to vector<512x8xf32>
    %add3A_65 = arith.addf %dot_general3A_63, %add3A_64 : vector<512x8xf32>
    %swap3A_66 = arith.constant 2048 : index
    %swap3A_67 = arith.constant 0 : index
    %swap3A_68 = vector.load %arg3[%swap3A_66, %swap3A_67] : memref<4096x8xf32, #tpu.memory_space<vmem>>, vector<512x8xf32>
    tpu.vector_store %arg3[%swap3A_66, %swap3A_67], %add3A_65 {strides = array<i32>} : memref<4096x8xf32, #tpu.memory_space<vmem>>, vector<512x8xf32>,
    %reduce_sum3A_69 = arith.constant dense<0.000000e+00> : vector<8xf32>
    %reduce_sum3A_70 = vector.multi_reduction <add>, %convert_element_type3A_61, %reduce_sum3A_69 [0] : vector<512x8xf32> to vector<8xf32>
    %broadcast_in_dim3A_71 = vector.shape_cast %reduce_sum3A_70 : vector<8xf32> to vector<1x8xf32>
    %add3A_72 = arith.addf %add3A_57, %broadcast_in_dim3A_71 : vector<1x8xf32>
    %get3A_73 = arith.constant 2560 : index
    %get3A_74 = arith.constant 0 : index
    %get3A_75 = vector.load %arg0[%get3A_73, %get3A_74] : memref<4096x8xi32, #tpu.memory_space<vmem>>, vector<512x8xi32>
    %convert_element_type3A_76 = arith.sitofp %get3A_75 : vector<512x8xi32> to vector<512x8xf32>
    %dot_general3A_77 = arith.constant dense<0.000000e+00> : vector<512x8xf32>
    %dot_general3A_78 = tpu.matmul %convert_element_type3A_1, %convert_element_type3A_76, %dot_general3A_77 {dimension_numbers = #tpu.dot_dimension_numbers<[1], [0], [0], [1], [0, 0, 1, 1], [], []>, transpose_lhs_hint = false} : vector<512x512xf32>, vector<512x8xf32>, vector<512x8xf32> -> vector<512x8xf32>
    %add3A_79 = vector.broadcast %add3A_72 : vector<1x8xf32> to vector<512x8xf32>
    %add3A_80 = arith.addf %dot_general3A_78, %add3A_79 : vector<512x8xf32>
    %swap3A_81 = arith.constant 2560 : index
    %swap3A_82 = arith.constant 0 : index
    %swap3A_83 = vector.load %arg3[%swap3A_81, %swap3A_82] : memref<4096x8xf32, #tpu.memory_space<vmem>>, vector<512x8xf32>
    tpu.vector_store %arg3[%swap3A_81, %swap3A_82], %add3A_80 {strides = array<i32>} : memref<4096x8xf32, #tpu.memory_space<vmem>>, vector<512x8xf32>,
    %reduce_sum3A_84 = arith.constant dense<0.000000e+00> : vector<8xf32>
    %reduce_sum3A_85 = vector.multi_reduction <add>, %convert_element_type3A_76, %reduce_sum3A_84 [0] : vector<512x8xf32> to vector<8xf32>
    %broadcast_in_dim3A_86 = vector.shape_cast %reduce_sum3A_85 : vector<8xf32> to vector<1x8xf32>
    %add3A_87 = arith.addf %add3A_72, %broadcast_in_dim3A_86 : vector<1x8xf32>
    %get3A_88 = arith.constant 3072 : index
    %get3A_89 = arith.constant 0 : index
    %get3A_90 = vector.load %arg0[%get3A_88, %get3A_89] : memref<4096x8xi32, #tpu.memory_space<vmem>>, vector<512x8xi32>
    %convert_element_type3A_91 = arith.sitofp %get3A_90 : vector<512x8xi32> to vector<512x8xf32>
    %dot_general3A_92 = arith.constant dense<0.000000e+00> : vector<512x8xf32>
    %dot_general3A_93 = tpu.matmul %convert_element_type3A_1, %convert_element_type3A_91, %dot_general3A_92 {dimension_numbers = #tpu.dot_dimension_numbers<[1], [0], [0], [1], [0, 0, 1, 1], [], []>, transpose_lhs_hint = false} : vector<512x512xf32>, vector<512x8xf32>, vector<512x8xf32> -> vector<512x8xf32>
    %add3A_94 = vector.broadcast %add3A_87 : vector<1x8xf32> to vector<512x8xf32>
    %add3A_95 = arith.addf %dot_general3A_93, %add3A_94 : vector<512x8xf32>
    %swap3A_96 = arith.constant 3072 : index
    %swap3A_97 = arith.constant 0 : index
    %swap3A_98 = vector.load %arg3[%swap3A_96, %swap3A_97] : memref<4096x8xf32, #tpu.memory_space<vmem>>, vector<512x8xf32>
    tpu.vector_store %arg3[%swap3A_96, %swap3A_97], %add3A_95 {strides = array<i32>} : memref<4096x8xf32, #tpu.memory_space<vmem>>, vector<512x8xf32>,
    %reduce_sum3A_99 = arith.constant dense<0.000000e+00> : vector<8xf32>
    %reduce_sum3A_100 = vector.multi_reduction <add>, %convert_element_type3A_91, %reduce_sum3A_99 [0] : vector<512x8xf32> to vector<8xf32>
    %broadcast_in_dim3A_101 = vector.shape_cast %reduce_sum3A_100 : vector<8xf32> to vector<1x8xf32>
    %add3A_102 = arith.addf %add3A_87, %broadcast_in_dim3A_101 : vector<1x8xf32>
    %get3A_103 = arith.constant 3584 : index
    %get3A_104 = arith.constant 0 : index
    %get3A_105 = vector.load %arg0[%get3A_103, %get3A_104] : memref<4096x8xi32, #tpu.memory_space<vmem>>, vector<512x8xi32>
    %convert_element_type3A_106 = arith.sitofp %get3A_105 : vector<512x8xi32> to vector<512x8xf32>
    %dot_general3A_107 = arith.constant dense<0.000000e+00> : vector<512x8xf32>
    %dot_general3A_108 = tpu.matmul %convert_element_type3A_1, %convert_element_type3A_106, %dot_general3A_107 {dimension_numbers = #tpu.dot_dimension_numbers<[1], [0], [0], [1], [0, 0, 1, 1], [], []>, transpose_lhs_hint = false} : vector<512x512xf32>, vector<512x8xf32>, vector<512x8xf32> -> vector<512x8xf32>
    %add3A_109 = vector.broadcast %add3A_102 : vector<1x8xf32> to vector<512x8xf32>
    %add3A_110 = arith.addf %dot_general3A_108, %add3A_109 : vector<512x8xf32>
    %swap3A_111 = arith.constant 3584 : index
    %swap3A_112 = arith.constant 0 : index
    %swap3A_113 = vector.load %arg3[%swap3A_111, %swap3A_112] : memref<4096x8xf32, #tpu.memory_space<vmem>>, vector<512x8xf32>
    tpu.vector_store %arg3[%swap3A_111, %swap3A_112], %add3A_110 {strides = array<i32>} : memref<4096x8xf32, #tpu.memory_space<vmem>>, vector<512x8xf32>,
    %reduce_sum3A_114 = arith.constant dense<0.000000e+00> : vector<8xf32>
    %reduce_sum3A_115 = vector.multi_reduction <add>, %convert_element_type3A_106, %reduce_sum3A_114 [0] : vector<512x8xf32> to vector<8xf32>
    %broadcast_in_dim3A_116 = vector.shape_cast %reduce_sum3A_115 : vector<8xf32> to vector<1x8xf32>
    %add3A_117 = arith.addf %add3A_102, %broadcast_in_dim3A_116 : vector<1x8xf32>
    %convert_element_type3A_118 = arith.fptosi %add3A_117 : vector<1x8xf32> to vector<1x8xi32>
    %add3A_119 = arith.constant 255 : i32
    %add3A_120 = vector.broadcast %add3A_119 : i32 to vector<1x8xi32>
    %add3A_121 = arith.addi %convert_element_type3A_118, %add3A_120 : vector<1x8xi32>
    %jit3A = arith.constant 256 : i32
    %div3A = vector.broadcast %jit3A : i32 to vector<1x8xi32>
    %div3A_122 = arith.divsi %add3A_121, %div3A : vector<1x8xi32>
    %sign3A = arith.constant 0 : i32
    %sign3A_123 = vector.broadcast %sign3A : i32 to vector<1x8xi32>
    %sign3A_124 = arith.cmpi sgt, %add3A_121, %sign3A_123 : vector<1x8xi32>
    %sign3A_125 = arith.extui %sign3A_124 : vector<1x8xi1> to vector<1x8xi32>
    %sign3A_126 = arith.constant 0 : i32
    %sign3A_127 = vector.broadcast %sign3A_126 : i32 to vector<1x8xi32>
    %sign3A_128 = arith.cmpi slt, %add3A_121, %sign3A_127 : vector<1x8xi32>
    %sign3A_129 = arith.extui %sign3A_128 : vector<1x8xi1> to vector<1x8xi32>
    %sign3A_130 = arith.subi %sign3A_125, %sign3A_129 : vector<1x8xi32>
    %sign3A_131 = arith.constant 0 : i32
    %sign3A_132 = arith.cmpi sgt, %jit3A, %sign3A_131 : i32
    %sign3A_133 = arith.extui %sign3A_132 : i1 to i32
    %sign3A_134 = arith.constant 0 : i32
    %sign3A_135 = arith.cmpi slt, %jit3A, %sign3A_134 : i32
    %sign3A_136 = arith.extui %sign3A_135 : i1 to i32
    %sign3A_137 = arith.subi %sign3A_133, %sign3A_136 : i32
    %ne3A = vector.broadcast %sign3A_137 : i32 to vector<1x8xi32>
    %ne3A_138 = arith.cmpi ne, %sign3A_130, %ne3A : vector<1x8xi32>
    %rem3A = vector.broadcast %jit3A : i32 to vector<1x8xi32>
    %rem3A_139 = arith.remsi %add3A_121, %rem3A : vector<1x8xi32>
    %ne3A_140 = arith.constant 0 : i32
    %ne3A_141 = vector.broadcast %ne3A_140 : i32 to vector<1x8xi32>
    %ne3A_142 = arith.cmpi ne, %rem3A_139, %ne3A_141 : vector<1x8xi32>
    %and3A = arith.andi %ne3A_138, %ne3A_142 : vector<1x8xi1>
    %sub3A = arith.constant 1 : i32
    %sub3A_143 = vector.broadcast %sub3A : i32 to vector<1x8xi32>
    %sub3A_144 = arith.subi %div3A_122, %sub3A_143 : vector<1x8xi32>
    %select_n3A = arith.select %and3A, %sub3A_144, %div3A_122 : vector<1x8xi1>, vector<1x8xi32>
    %iota3A_145 = tpu.iota {dimensions = array<i32: 0>} : vector<8x8xi32>
    %iota3A_146 = tpu.iota {dimensions = array<i32: 1>} : vector<8x8xi32>
    %lt3A_147 = arith.cmpi slt, %iota3A_145, %iota3A_146 : vector<8x8xi32>
    %convert_element_type3A_148 = arith.extui %lt3A_147 : vector<8x8xi1> to vector<8x8xi32>
    %convert_element_type3A_149 = arith.sitofp %convert_element_type3A_148 : vector<8x8xi32> to vector<8x8xf32>
    %convert_element_type3A_150 = arith.sitofp %select_n3A : vector<1x8xi32> to vector<1x8xf32>
    %dot_general3A_151 = arith.constant dense<0.000000e+00> : vector<1x8xf32>
    %dot_general3A_152 = tpu.matmul %convert_element_type3A_150, %convert_element_type3A_149, %dot_general3A_151 {dimension_numbers = #tpu.dot_dimension_numbers<[1], [0], [0], [1], [0, 0, 1, 1], [], []>, transpose_lhs_hint = false} : vector<1x8xf32>, vector<8x8xf32>, vector<1x8xf32> -> vector<1x8xf32>
    %mul3A = arith.constant 2.560000e+02 : f32
    %mul3A_153 = vector.broadcast %mul3A : f32 to vector<1x8xf32>
    %mul3A_154 = arith.mulf %dot_general3A_152, %mul3A_153 : vector<1x8xf32>
    %get3A_155 = arith.constant 0 : index
    %get3A_156 = arith.constant 0 : index
    %get3A_157 = vector.load %arg3[%get3A_155, %get3A_156] : memref<4096x8xf32, #tpu.memory_space<vmem>>, vector<4096x8xf32>
    %add3A_158 = vector.broadcast %mul3A_154 : vector<1x8xf32> to vector<4096x8xf32>
    %add3A_159 = arith.addf %get3A_157, %add3A_158 : vector<4096x8xf32>
    %get3A_160 = arith.constant 0 : index
    %get3A_161 = arith.constant 0 : index
    %get3A_162 = vector.load %arg0[%get3A_160, %get3A_161] : memref<4096x8xi32, #tpu.memory_space<vmem>>, vector<4096x8xi32>
    %convert_element_type3A_163 = arith.sitofp %get3A_162 : vector<4096x8xi32> to vector<4096x8xf32>
    %mul3A_164 = arith.mulf %convert_element_type3A_163, %add3A_159 : vector<4096x8xf32>
    %reduce_sum3A_165 = arith.constant dense<0.000000e+00> : vector<4096xf32>
    %reduce_sum3A_166 = vector.multi_reduction <add>, %mul3A_164, %reduce_sum3A_165 [1] : vector<4096x8xf32> to vector<4096xf32>
    %convert_element_type3A_167 = arith.fptosi %reduce_sum3A_166 : vector<4096xf32> to vector<4096xi32>
    %swap3A_168 = arith.constant 0 : index
    %swap3A_169 = vector.load %arg1[%swap3A_168] : memref<4096xi32, #tpu.memory_space<vmem>>, vector<4096xi32>
    tpu.vector_store %arg1[%swap3A_168], %convert_element_type3A_167 {strides = array<i32>} : memref<4096xi32, #tpu.memory_space<vmem>>, vector<4096xi32>,
    %convert_element_type3A_170 = arith.sitofp %select_n3A : vector<1x8xi32> to vector<1x8xf32>
    %add3A_171 = arith.addf %dot_general3A_152, %convert_element_type3A_170 : vector<1x8xf32>
    %iota3A_172 = tpu.iota {dimensions = array<i32: 1>} : vector<1x128xi32>
    %convert_element_type3A_173 = arith.sitofp %iota3A_172 : vector<1x128xi32> to vector<1x128xf32>
    %broadcast_in_dim3A_174 = arith.constant 0 : i32
    %broadcast_in_dim3A_175 = vector.broadcast %broadcast_in_dim3A_174 : i32 to vector<1x128xi32>
    %slice3A = vector.extract_strided_slice %add3A_171 {offsets = [0, 0], sizes = [1, 1], strides = [1, 1]} : vector<1x8xf32> to vector<1x1xf32>
    %broadcast_in_dim3A_176 = vector.shape_cast %slice3A : vector<1x1xf32> to vector<1x1xf32>
    %broadcast_in_dim3A_177 = vector.broadcast %broadcast_in_dim3A_176 : vector<1x1xf32> to vector<1x128xf32>
    %ge3A = arith.cmpf oge, %convert_element_type3A_173, %broadcast_in_dim3A_177 : vector<1x128xf32>
    %convert_element_type3A_178 = arith.extui %ge3A : vector<1x128xi1> to vector<1x128xi32>
    %add3A_179 = arith.addi %broadcast_in_dim3A_175, %convert_element_type3A_178 : vector<1x128xi32>
    %slice3A_180 = vector.extract_strided_slice %add3A_171 {offsets = [0, 1], sizes = [1, 1], strides = [1, 1]} : vector<1x8xf32> to vector<1x1xf32>
    %broadcast_in_dim3A_181 = vector.shape_cast %slice3A_180 : vector<1x1xf32> to vector<1x1xf32>
    %broadcast_in_dim3A_182 = vector.broadcast %broadcast_in_dim3A_181 : vector<1x1xf32> to vector<1x128xf32>
    %ge3A_183 = arith.cmpf oge, %convert_element_type3A_173, %broadcast_in_dim3A_182 : vector<1x128xf32>
    %convert_element_type3A_184 = arith.extui %ge3A_183 : vector<1x128xi1> to vector<1x128xi32>
    %add3A_185 = arith.addi %add3A_179, %convert_element_type3A_184 : vector<1x128xi32>
    %slice3A_186 = vector.extract_strided_slice %add3A_171 {offsets = [0, 2], sizes = [1, 1], strides = [1, 1]} : vector<1x8xf32> to vector<1x1xf32>
    %broadcast_in_dim3A_187 = vector.shape_cast %slice3A_186 : vector<1x1xf32> to vector<1x1xf32>
    %broadcast_in_dim3A_188 = vector.broadcast %broadcast_in_dim3A_187 : vector<1x1xf32> to vector<1x128xf32>
    %ge3A_189 = arith.cmpf oge, %convert_element_type3A_173, %broadcast_in_dim3A_188 : vector<1x128xf32>
    %convert_element_type3A_190 = arith.extui %ge3A_189 : vector<1x128xi1> to vector<1x128xi32>
    %add3A_191 = arith.addi %add3A_185, %convert_element_type3A_190 : vector<1x128xi32>
    %slice3A_192 = vector.extract_strided_slice %add3A_171 {offsets = [0, 3], sizes = [1, 1], strides = [1, 1]} : vector<1x8xf32> to vector<1x1xf32>
    %broadcast_in_dim3A_193 = vector.shape_cast %slice3A_192 : vector<1x1xf32> to vector<1x1xf32>
    %broadcast_in_dim3A_194 = vector.broadcast %broadcast_in_dim3A_193 : vector<1x1xf32> to vector<1x128xf32>
    %ge3A_195 = arith.cmpf oge, %convert_element_type3A_173, %broadcast_in_dim3A_194 : vector<1x128xf32>
    %convert_element_type3A_196 = arith.extui %ge3A_195 : vector<1x128xi1> to vector<1x128xi32>
    %add3A_197 = arith.addi %add3A_191, %convert_element_type3A_196 : vector<1x128xi32>
    %slice3A_198 = vector.extract_strided_slice %add3A_171 {offsets = [0, 4], sizes = [1, 1], strides = [1, 1]} : vector<1x8xf32> to vector<1x1xf32>
    %broadcast_in_dim3A_199 = vector.shape_cast %slice3A_198 : vector<1x1xf32> to vector<1x1xf32>
    %broadcast_in_dim3A_200 = vector.broadcast %broadcast_in_dim3A_199 : vector<1x1xf32> to vector<1x128xf32>
    %ge3A_201 = arith.cmpf oge, %convert_element_type3A_173, %broadcast_in_dim3A_200 : vector<1x128xf32>
    %convert_element_type3A_202 = arith.extui %ge3A_201 : vector<1x128xi1> to vector<1x128xi32>
    %add3A_203 = arith.addi %add3A_197, %convert_element_type3A_202 : vector<1x128xi32>
    %slice3A_204 = vector.extract_strided_slice %add3A_171 {offsets = [0, 5], sizes = [1, 1], strides = [1, 1]} : vector<1x8xf32> to vector<1x1xf32>
    %broadcast_in_dim3A_205 = vector.shape_cast %slice3A_204 : vector<1x1xf32> to vector<1x1xf32>
    %broadcast_in_dim3A_206 = vector.broadcast %broadcast_in_dim3A_205 : vector<1x1xf32> to vector<1x128xf32>
    %ge3A_207 = arith.cmpf oge, %convert_element_type3A_173, %broadcast_in_dim3A_206 : vector<1x128xf32>
    %convert_element_type3A_208 = arith.extui %ge3A_207 : vector<1x128xi1> to vector<1x128xi32>
    %add3A_209 = arith.addi %add3A_203, %convert_element_type3A_208 : vector<1x128xi32>
    %slice3A_210 = vector.extract_strided_slice %add3A_171 {offsets = [0, 6], sizes = [1, 1], strides = [1, 1]} : vector<1x8xf32> to vector<1x1xf32>
    %broadcast_in_dim3A_211 = vector.shape_cast %slice3A_210 : vector<1x1xf32> to vector<1x1xf32>
    %broadcast_in_dim3A_212 = vector.broadcast %broadcast_in_dim3A_211 : vector<1x1xf32> to vector<1x128xf32>
    %ge3A_213 = arith.cmpf oge, %convert_element_type3A_173, %broadcast_in_dim3A_212 : vector<1x128xf32>
    %convert_element_type3A_214 = arith.extui %ge3A_213 : vector<1x128xi1> to vector<1x128xi32>
    %add3A_215 = arith.addi %add3A_209, %convert_element_type3A_214 : vector<1x128xi32>
    %slice3A_216 = vector.extract_strided_slice %add3A_171 {offsets = [0, 7], sizes = [1, 1], strides = [1, 1]} : vector<1x8xf32> to vector<1x1xf32>
    %broadcast_in_dim3A_217 = vector.shape_cast %slice3A_216 : vector<1x1xf32> to vector<1x1xf32>
    %broadcast_in_dim3A_218 = vector.broadcast %broadcast_in_dim3A_217 : vector<1x1xf32> to vector<1x128xf32>
    %ge3A_219 = arith.cmpf oge, %convert_element_type3A_173, %broadcast_in_dim3A_218 : vector<1x128xf32>
    %convert_element_type3A_220 = arith.extui %ge3A_219 : vector<1x128xi1> to vector<1x128xi32>
    %add3A_221 = arith.addi %add3A_215, %convert_element_type3A_220 : vector<1x128xi32>
    %swap3A_222 = arith.constant 0 : index
    %swap3A_223 = arith.constant 0 : index
    %swap3A_224 = vector.load %arg2[%swap3A_222, %swap3A_223] : memref<1x128xi32, #tpu.memory_space<vmem>>, vector<1x128xi32>
    tpu.vector_store %arg2[%swap3A_222, %swap3A_223], %add3A_221 {strides = array<i32>} : memref<1x128xi32, #tpu.memory_space<vmem>>, vector<1x128xi32>,
    return
  }
}

module attributes {stable_mosaic.version = 14 : i64} {
  func.func @_gate_body(%arg0: i32, %arg1: memref<512x8x768xf32, #tpu.memory_space<vmem>>, %arg2: memref<8x768xf32, #tpu.memory_space<vmem>>, %arg3: memref<1x8xf32, #tpu.memory_space<vmem>>, %arg4: memref<512x8xi32, #tpu.memory_space<vmem>>) attributes {dimension_semantics = [#tpu.dimension_semantics<arbitrary>], iteration_bounds = array<i64: 8>, scalar_prefetch = 0 : i64, scratch_operands = 0 : i64, tpu.core_type = #tpu.core_type<tc>, window_params = [{transform_indices = @transform_0, window_bounds = array<i64: 512, 8, 768>}, {pipeline_mode = #tpu.pipeline_mode<synchronous>, transform_indices = @transform_1, window_bounds = array<i64: 8, 768>}, {pipeline_mode = #tpu.pipeline_mode<synchronous>, transform_indices = @transform_2, window_bounds = array<i64: 1, 8>}, {transform_indices = @transform_3, window_bounds = array<i64: 512, 8>}]} {
    %get3A = arith.constant 0 : index
    %get3A_0 = arith.constant 0 : index
    %get3A_1 = arith.constant 0 : index
    %get3A_2 = vector.load %arg1[%get3A, %get3A_0, %get3A_1] : memref<512x8x768xf32, #tpu.memory_space<vmem>>, vector<512x8x768xf32>
    %reduce_sum3A = arith.constant dense<0.000000e+00> : vector<512x768xf32>
    %reduce_sum3A_3 = vector.multi_reduction <add>, %get3A_2, %reduce_sum3A [1] : vector<512x8x768xf32> to vector<512x768xf32>
    %div3A = arith.constant 8.000000e+00 : f32
    %div3A_4 = vector.broadcast %div3A : f32 to vector<512x768xf32>
    %div3A_5 = arith.divf %reduce_sum3A_3, %div3A_4 : vector<512x768xf32>
    %get3A_6 = arith.constant 0 : index
    %get3A_7 = arith.constant 0 : index
    %get3A_8 = vector.load %arg2[%get3A_6, %get3A_7] : memref<8x768xf32, #tpu.memory_space<vmem>>, vector<8x768xf32>
    %dot_general3A = arith.constant dense<0.000000e+00> : vector<512x8xf32>
    %dot_general3A_9 = tpu.matmul %div3A_5, %get3A_8, %dot_general3A {dimension_numbers = #tpu.dot_dimension_numbers<[1], [1], [0], [0], [0, 0, 1, 0], [], []>, transpose_lhs_hint = false} : vector<512x768xf32>, vector<8x768xf32>, vector<512x8xf32> -> vector<512x8xf32>
    %get3A_10 = arith.constant 0 : index
    %get3A_11 = arith.constant 0 : index
    %get3A_12 = vector.load %arg3[%get3A_10, %get3A_11] : memref<1x8xf32, #tpu.memory_space<vmem>>, vector<1x8xf32>
    %add3A = vector.broadcast %get3A_12 : vector<1x8xf32> to vector<512x8xf32>
    %add3A_13 = arith.addf %dot_general3A_9, %add3A : vector<512x8xf32>
    %reduce_max3A = arith.constant dense<0xFF800000> : vector<512xf32>
    %reduce_max3A_14 = vector.multi_reduction <maximumf>, %add3A_13, %reduce_max3A [1] : vector<512x8xf32> to vector<512xf32>
    %broadcast_in_dim3A = vector.shape_cast %reduce_max3A_14 : vector<512xf32> to vector<512x1xf32>
    %iota3A = tpu.iota {dimensions = array<i32: 1>} : vector<512x8xi32>
    %ge3A = vector.broadcast %broadcast_in_dim3A : vector<512x1xf32> to vector<512x8xf32>
    %ge3A_15 = arith.cmpf oge, %add3A_13, %ge3A : vector<512x8xf32>
    %jit3A = arith.constant 8 : i32
    %broadcast_in_dim3A_16 = vector.broadcast %jit3A : i32 to vector<512x8xi32>
    %select_n3A = arith.select %ge3A_15, %iota3A, %broadcast_in_dim3A_16 : vector<512x8xi1>, vector<512x8xi32>
    %reduce_min3A = arith.constant dense<2147483647> : vector<512xi32>
    %reduce_min3A_17 = vector.multi_reduction <minsi>, %select_n3A, %reduce_min3A [1] : vector<512x8xi32> to vector<512xi32>
    %broadcast_in_dim3A_18 = vector.shape_cast %reduce_min3A_17 : vector<512xi32> to vector<512x1xi32>
    %eq3A = vector.broadcast %broadcast_in_dim3A_18 : vector<512x1xi32> to vector<512x8xi32>
    %eq3A_19 = arith.cmpi eq, %iota3A, %eq3A : vector<512x8xi32>
    %convert_element_type3A = arith.extui %eq3A_19 : vector<512x8xi1> to vector<512x8xi32>
    %swap3A = arith.constant 0 : index
    %swap3A_20 = arith.constant 0 : index
    %swap3A_21 = vector.load %arg4[%swap3A, %swap3A_20] : memref<512x8xi32, #tpu.memory_space<vmem>>, vector<512x8xi32>
    tpu.vector_store %arg4[%swap3A, %swap3A_20], %convert_element_type3A {strides = array<i32>} : memref<512x8xi32, #tpu.memory_space<vmem>>, vector<512x8xi32>,
    return
  }
  func.func @transform_0(%arg0: i32) -> (i32, i32, i32) {
    %c0_i32 = arith.constant 0 : i32
    %c0_i32_0 = arith.constant 0 : i32
    %c0_i32_1 = arith.constant 0 : i32
    return %arg0, %c0_i32, %c0_i32_0 : i32, i32, i32
  }
  func.func @transform_1(%arg0: i32) -> (i32, i32) {
    %c0_i32 = arith.constant 0 : i32
    %c0_i32_0 = arith.constant 0 : i32
    %c0_i32_1 = arith.constant 0 : i32
    return %c0_i32, %c0_i32_0 : i32, i32
  }
  func.func @transform_2(%arg0: i32) -> (i32, i32) {
    %c0_i32 = arith.constant 0 : i32
    %c0_i32_0 = arith.constant 0 : i32
    %c0_i32_1 = arith.constant 0 : i32
    return %c0_i32, %c0_i32_0 : i32, i32
  }
  func.func @transform_3(%arg0: i32) -> (i32, i32) {
    %c0_i32 = arith.constant 0 : i32
    %c0_i32_0 = arith.constant 0 : i32
    return %arg0, %c0_i32 : i32, i32
  }
}

</mosaic_0001>

<sc_bundles>
// kernel: kernel.10.cloned.1.call-start
scs
__scs_entry_jumppad:
0x0: {  	(pc) =	sbr.rel $0x88, $3  }
0x1: {  	(tag) =	ssettag $0x0;
	lr =	simm.s32 $0x1  }
0x2: {  	[smem:$0x3F9B] =	sst lr;
	_ =	strace $0xD0000000  }
0x3: {  	_ = 	snop  }
0x4: {  	_ = 	snop  }
0x5: {  	_ = 	snop  }
0x6: {  	_ = 	snop  }
0x7: {  	_ = 	snop  }
__scs_overlays_trampoline_lowered:
0x8: {  	[smem:$0x3FAA] =	sst s0  }
0x9: {  	[smem:$0x3FAB] =	sst s1  }
0xa: {  	[smem:$0x3FAC] =	sst s2  }
0xb: {  	[smem:$0x3FAD] =	sst s3  }
0xc: {  	[smem:$0x3FAE] =	sst s4  }
0xd: {  	[smem:$0x3FAF] =	sst s5  }
0xe: {  	[smem:$0x3FB0] =	sst s6  }
0xf: {  	[smem:$0x3FB1] =	sst s7  }
0x10: {  	[smem:$0x3FB2] =	sst s8  }
0x11: {  	[smem:$0x3FB3] =	sst s9;
	s0 =	simm.s32 @!p0 $0x0  }
0x12: {  	s1 =	sld [smem:$0x3F99];
	s0 =	simm.s32 @p0 $0x1  }
0x13: {  	[smem:$0x3FB4] =	sst s0;
	s0 =	simm.s32 @!p1 $0x0  }
0x14: {  	s2 =	sld [smem:$0x3F98];
	s0 =	simm.s32 @p1 $0x1  }
0x15: {  	[smem:$0x3FB5] =	sst s0;
	s0 =	simm.s32 @!p2 $0x0  }
0x16: {  	s3 =	sld [smem:$0x3FDB];
	s0 =	simm.s32 @p2 $0x1  }
0x17: {  	s4 =	simm.s32 $0x1BF5;
	[smem:$0x3FB7] =	sst s0  }
0x18: {  	s0 =	sld [smem:$0x3F9A];
	_ =	swait.ge [sflag:s4], $0x0  }
0x19: {  	s7 =	sld [smem:$0x3F9B]  }
0x1a: {  	s8 =	sadd.s32 $0xFFFFE003, lr  }
0x1b: {  	s9 =	sadd.s32 $0xFFFFFEF7, lr;
	s5 =	simm.s32 $0xFFFFFFFF;
	p2 =	slt.u32 s8, $0xFFFFF086  }
0x1c: {  	p1 =	slt.u32 s9, $0xF7A;
	s5 =	simm.s32 @!p2 $0x0  }
0x1d: {  	s5 =	simm.s32 @p1 $0x1;
	p0 =	seq.s32 s7, s2  }
0x1e: {  	s7 =	smul.u32 @!p0 $0xF7A, s2;
	p2 =	seq.s32 @!p0 s5, $0x0  }
0x1f: {  	s9 =	smul.u32 $0xF7A, s1;
	s8 =	simm.s32 @!p0 $0x1BF5;
	p2 =	por !p2, p0  }
0x20: {  	[sflag:s8] =	ssyncset.s32 @!p0 $0xFFFFF086;
	s6 =	sadd.s32 @!p0 s3, s7;
	s7 =	simm.s32 @!p0 $0x108  }
0x21: {  	s3 =	sadd.s32 s3, s9;
	s6 =	sadd.s32 @!p0 $0x88, s6;
	s7 =	simm.s32 @p2 $0x1082  }
0x22: {  	[simem:s7], [sflag:s8] =	dma.local @!p0 [hbm:s6], $0xF7A  }
0x23: {  	s9 =	sor.u32 $0xD0000000, s2;
	s6 =	simm.s32 $0x108;
	_ =	swait.ge @!p0 [sflag:s8], $0x0  }
0x24: {  	s3 =	sadd.s32 $0x88, s3;
	s6 =	simm.s32 @!p1 $0x1082;
	[sflag:s4] =	ssyncset.s32 $0xFFFFF086  }
0x25: {  	[simem:s6], [sflag:s4] =	dma.local [hbm:s3], $0xF7A  }
0x26: {  	[smem:$0x3F9B] =	sst s1;
	(tag) =	ssettag s2;
	_ =	strace s9  }
0x27: {  	s1 =	sld [smem:$0x3FAB]  }
0x28: {  	s2 =	sld [smem:$0x3FAC]  }
0x29: {  	s4 =	sld [smem:$0x3FAE]  }
0x2a: {  	p0 =	seq.s32 s5, $0x0;
	s5 =	sld [smem:$0x3FAF]  }
0x2b: {  	s6 =	sld [smem:$0x3FB0]  }
0x2c: {  	s7 =	sld [smem:$0x3FB1]  }
0x2d: {  	s3 =	simm.s32 $0x108;
	s8 =	sld [smem:$0x3FB2]  }
0x2e: {  	s3 =	simm.s32 @!p0 $0x1082;
	s9 =	sld [smem:$0x3FB3]  }
0x2f: {  	lr =	sadd.s32 s0, s3;
	s0 =	sld [smem:$0x3FAA]  }
0x30: {  	s3 =	sld [smem:$0x3FAD]  }
0x31: {  	[smem:$0x3FB6] =	sst s10  }
0x32: {  	s10 =	sld [smem:$0x3FB4];
	_ =	sdelay $0x3  }
0x33: {  	p0 =	seq.s32 s10, $0x1;
	s10 =	sld [smem:$0x3FB6];
	_ =	sdelay $0x3  }
0x34: {  	[smem:$0x3FB6] =	sst s10  }
0x35: {  	s10 =	sld [smem:$0x3FB5];
	_ =	sdelay $0x3  }
0x36: {  	p1 =	seq.s32 s10, $0x1;
	s10 =	sld [smem:$0x3FB6];
	_ =	sdelay $0x3  }
0x37: {  	[smem:$0x3FB6] =	sst s10  }
0x38: {  	s10 =	sld [smem:$0x3FB7]  }
0x39: {  	_ = 	snop;
	(pc) =	sbr.ind lr, $3  }
0x3a: {  	_ = 	snop  }
0x3b: {  	_ = 	snop  }
0x3c: {  	p2 =	seq.s32 s10, $0x1;
	s10 =	sld [smem:$0x3FB6]  }
0x3d: {  	_ =	shalt  }
0x3e: {  	_ =	shalt  }
0x3f: {  	_ =	shalt  }
0x40: {  	_ =	shalt  }
0x41: {  	_ =	shalt  }
0x42: {  	_ =	shalt  }
0x43: {  	_ =	shalt  }
0x44: {  	_ =	shalt  }
0x45: {  	_ =	shalt  }
0x46: {  	_ =	shalt  }
0x47: {  	_ =	shalt  }
0x48: {  	_ =	shalt  }
0x49: {  	_ =	shalt  }
0x4a: {  	_ =	shalt  }
0x4b: {  	_ =	shalt  }
0x4c: {  	_ =	shalt  }
0x4d: {  	_ =	shalt  }
0x4e: {  	_ =	shalt  }
0x4f: {  	_ =	shalt  }
0x50: {  	_ =	shalt  }
0x51: {  	_ =	shalt  }
0x52: {  	_ =	shalt  }
0x53: {  	_ =	shalt  }
0x54: {  	_ =	shalt  }
0x55: {  	_ =	shalt  }
0x56: {  	_ =	shalt  }
0x57: {  	_ =	shalt  }
0x58: {  	_ =	shalt  }
0x59: {  	_ =	shalt  }
0x5a: {  	_ =	shalt  }
0x5b: {  	_ =	shalt  }
0x5c: {  	_ =	shalt  }
0x5d: {  	_ =	shalt  }
0x5e: {  	_ =	shalt  }
0x5f: {  	_ =	shalt  }
0x60: {  	_ =	shalt  }
0x61: {  	_ =	shalt  }
0x62: {  	_ =	shalt  }
0x63: {  	_ =	shalt  }
0x64: {  	_ =	shalt  }
0x65: {  	_ =	shalt  }
0x66: {  	_ =	shalt  }
0x67: {  	_ =	shalt  }
0x68: {  	_ =	shalt  }
0x69: {  	_ =	shalt  }
0x6a: {  	_ =	shalt  }
0x6b: {  	_ =	shalt  }
0x6c: {  	_ =	shalt  }
0x6d: {  	_ =	shalt  }
0x6e: {  	_ =	shalt  }
0x6f: {  	_ =	shalt  }
0x70: {  	_ =	shalt  }
0x71: {  	_ =	shalt  }
0x72: {  	_ =	shalt  }
0x73: {  	_ =	shalt  }
0x74: {  	_ =	shalt  }
0x75: {  	_ =	shalt  }
0x76: {  	_ =	shalt  }
0x77: {  	_ =	shalt  }
0x78: {  	_ =	shalt  }
0x79: {  	_ =	shalt  }
0x7a: {  	_ =	shalt  }
0x7b: {  	_ =	shalt  }
0x7c: {  	_ =	shalt  }
0x7d: {  	_ =	shalt  }
0x7e: {  	_ =	shalt  }
0x7f: {  	_ =	shalt  }
0x80: {  	_ =	shalt  }
0x81: {  	_ =	shalt  }
0x82: {  	_ =	shalt  }
0x83: {  	_ =	shalt  }
0x84: {  	_ =	shalt  }
0x85: {  	_ =	shalt  }
0x86: {  	_ =	shalt  }
0x87: {  	_ =	shalt  }
.Lfunc_end0:
.L_simem_size_0:
called_computation.1_lowered:
.L_overlay_start_0:
0x88: {  	s2 =	sld [smem:$0x3FD9]  }
0x89: {  	s3 =	sld [smem:$0x3FFE];
	_ =	sdelay $0x1  }
0x8a: {  	s1 =	srdreg.scid  }
0x8b: {  	s0 =	sand.u32 $0x1, s1  }
0x8c: {  	s17 =	sshll.u32 s0, $0xA;
	s2 =	sadd.s32 s3, s2  }
0x8d: {  	s2 =	sadd.s32 s2, s17  }
0x8e: {  	[smem:$0x3FC2] =	sst s2  }
0x8f: {  	_ = 	snop  }
0x90: {  	s2 =	sld [smem:$0x3FD0];
	(tm) =	ssettm $0x1  }
0x91: {  	s18 =	sld [smem:$0x3FFB];
	_ =	sdelay $0x3  }
0x92: {  	_ =	strace s18  }
0x93: {  	s3 =	sld [smem:$0x3FFC];
	_ =	sdelay $0x3  }
0x94: {  	_ =	strace s3  }
0x95: {  	s3 =	sld [smem:$0x3FFD];
	_ =	sdelay $0x3  }
0x96: {  	_ =	strace s3  }
0x97: {  	_ =	strace $0x8FFFFFFF  }
0x98: {  	s19 =	sld [smem:$0x3FDB];
	_ =	sdelay $0x1  }
0x99: {  	s4 =	simm.s32 $_scs_section_size  }
0x9a: {  	s5 =	simm.s32 $_size__tile_overlayer_lowered;
	s6 =	simm.s32 $_tile_overlayer_lowered  }
0x9b: {  	s22 =	simm.s32 $0x1BFF;
	s21 =	sshll.u32 s6, $0x1;
	s3 =	sadd.s32 s4, s19  }
0x9c: {  	s7 =	simm.s32 $0x0;
	s20 =	sshll.u32 s5, $0x1;
	s5 =	sadd.s32 s21, s3  }
0x9d: {  	[timem:s7], [sflag:s22] =	dma.local [hbm:s5], s20  }
0x9e: {  	_ =	swait.ge [sflag:s22], s20  }
0x9f: {  	s4 =	ssub.s32 $0x0, s20;
	[sflag:s22] =	ssyncset.done $0x0  }
0xa0: {  	[sflag:s22] =	ssyncadd.s32 s4;
	_ =	sdelay $0x1  }
0xa1: {  	s23 =	simm.s32 $0x1B8B  }
0xa2: {  	_ =	swait.ge [sflag:s23], $0x1  }
0xa3: {  	[sflag:s23] =	ssyncset.done $0x0  }
0xa4: {  	s25 =	simm.s32 $0x1B8E;
	s24 =	sld [smem:$0x3FFE];
	[sflag:s23] =	ssyncadd.s32 $0xFFFFFFFF  }
0xa5: {  	s26 =	simm.s32 $execute0_lowered;
	[smem:$0x3FD2] =	sst s25  }
0xa6: {  	s5 =	sshll.u32 s26, $0x1;
	_ =	strace $0x80000049;
	[dreg:$0x1] =	wrdreg $0xFFFFFFFF  }
0xa7: {  	s28 =	simm.s32 $_size_execute0_lowered;
	s3 =	sadd.s32 s3, s5;
	[dreg:$0x0] =	wrdreg $0x0  }
0xa8: {  	s5 =	sshll.u32 s28, $0x1;
	[dreg:$0x2] =	wrdreg s3  }
0xa9: {  	[dreg:$0x3] =	wrdreg s5  }
0xaa: {  	[dreg:$0x4] =	wrdreg $0xC0  }
0xab: {  	_ =	task [dreg:s7], $0x5FFFF  }
0xac: {  	[dreg:$0x1] =	wrdreg $0xFFFFFFFF  }
0xad: {  	[dreg:$0x0] =	wrdreg $0x60  }
0xae: {  	[dreg:$0x2] =	wrdreg s24  }
0xaf: {  	[dreg:$0x3] =	wrdreg s2  }
0xb0: {  	[dreg:$0x4] =	wrdreg $0x9  }
0xb1: {  	_ =	task.clear_ibuf [dreg:s7], $0x5FFFF;
	_ =	strace $0x90000049  }
0xb2: {  	s29 =	simm.s32 $0x9;
	_ =	strace $0x8000004B  }
0xb3: {  	_ =	swait.ge [sflag:s29], $0x1  }
0xb4: {  	[sflag:s29] =	ssyncadd.s32 $0xFFFFFFFF  }
0xb5: {  	_ =	strace $0x9000004B  }
0xb6: {  	_ =	sfence  }
0xb7: {  	s30 =	sld [smem:$0x0];
	_ =	sdelay $0x2  }
0xb8: {  	s31 =	sshll.u32 s1, $0xD;
	s1 =	sshrl.u32 s1, $0x2  }
0xb9: {  	s3 =	sand.u32 $0x4000, s31;
	s1 =	sadd.s32 s1, s30  }
0xba: {  	s0 =	sor.u32 s3, s0;
	s1 =	sshll.u32 s1, $0x11  }
0xbb: {  	s0 =	sor.u32 s1, s0  }
0xbc: {  	s0 =	sadd.s32 $0x8F2B, s0  }
0xbd: {  	[sflag:s0] =	ssyncadd.remote.s32 $0x1  }
0xbe: {  	_ =	sfence.sel $0xFFFF  }
0xbf: {  	[dreg:$0x0] =	wrdreg $0xFFFFFFFF;
	(pc) =	sbr.abs _section_cstart, $3  }
0xc0: {  	[dreg:$0x1] =	wrdreg $0xFFFFFFFF  }
0xc1: {  	_ =	task.clear_ibuf [dreg:s7], $0x2FFFF;
	_ =	strace $0x9FFFFFFF  }
0xc2: {  	(tm) =	ssettm $0x7FFFFFFF  }
0xc3: {  	_ =	shalt  }
tec
execute0_lowered:
.L_overlay_start_1:
0x0: {  	(tag) =	ssettag $0x1  }
0x1: {  	s0 =	rddreg [dreg:$0x0]  }
0x2: {  	s2 =	rddreg [dreg:$0x1]  }
0x3: {  	s1 =	simm.s32 $0x0;
	s4 =	srdreg.scid;
	s6 =	stileid.u32  }
0x4: {  	s11 =	simm.s32 $0x2;
	s12 =	simm.s32 $0x80;
	s31 =	simm.s32 $0x12900  }
0x5: {  	s13 =	simm.s32 $0x14100;
	s14 =	simm.s32 $0x14900;
	s15 =	simm.s32 $0x15100  }
0x6: {  	s16 =	simm.s32 $0x15900;
	s17 =	simm.s32 $0x16100;
	s18 =	simm.s32 $0x16900  }
0x7: {  	s19 =	simm.s32 $0x17100;
	s20 =	simm.s32 $0x17900;
	s21 =	simm.s32 $0x1  }
0x8: {  	s22 =	simm.s32 $0x300;
	s23 =	simm.s32 $0x0;
	[smem:$0x7FF] =	sst s1  }
0x9: {  	s3 =	sadd.s32 $0x1600, s0;
	s4 =	sand.u32 $0x1, s4;
	s6 =	sshll.u32 s6, $0x8  }
0xa: {  	s7 =	sadd.s32 $0x1400, s0;
	s5 =	ssub.s32 $0x2, s4;
	s4 =	sshll.u32 s4, $0x7  }
0xb: {  	_ =	strace $0x8000004A;
	s8 =	sshrl.u32 s5, $0x1;
	s4 =	sor.u32 s4, s6  }
0xc: {  	s6 =	sadd.s32 $0x1700, s0;
	s10 =	ssub.s32 s5, s8;
	s28 =	sor.u32 $0x40, s4  }
0xd: {  	s29 =	smul.u32 $0x60, s4;
	s4 =	sshrl.u32 s4, $0x3;
	s30 =	sshrl.u32 s28, $0x3  }
0xe: {  	v2 =	vlaneseq.u32;
	s9 =	smul.u32 $0x60, s28;
	s4 =	sadd.s32 s7, s4;
	s10 =	smax.u32 s10, $0x1  }
0xf: {  	vm0 =	vmmov $0xffff;
	v1 =	vshrl.u32 v2, $0x3;
	s5 =	sadd.s32 s7, s30;
	s7 =	sadd.s32 $0x1800, s0;
	s8 =	sadd.s32 s2, s29  }
0x10: {  	v0 =	vand.u32 $0x7, v2;
	v2 =	vor.u32 $0x8, v2;
	v1 =	vmul.u32 $0x8, v1;
	s0 =	simm.s32 $0x13100;
	s9 =	sadd.s32 s2, s9;
	s2 =	simm.s32 $0x13900  }
.LBB2_1:
0x11: {  	[tilespmem:s1], [sflag:$0x2] =	stream.linear.gather [hbm4b:s4+s1], $0x40, $0x38;
	[tilespmem:$0x18100] =	vst v63  }
0x12: {  	_ =	swait.ge [sflag:s11], $0x40  }
0x13: {  	[sflag:s11] =	ssyncset.done $0x0  }
0x14: {  	[sflag:s11] =	ssyncadd.s32 $0xFFFFFFC0  }
0x15: {  	[tilespmem:s12], [sflag:$0x2] =	stream.linear.gather [hbm4b:s5+s1], $0x40, $0x38;
	[tilespmem:$0x18100] =	vst v63  }
0x16: {  	_ =	swait.ge [sflag:s11], $0x40  }
0x17: {  	[sflag:s11] =	ssyncset.done $0x0  }
0x18: {  	[sflag:s11] =	ssyncadd.s32 $0xFFFFFFC0  }
0x19: {  	v3 =	vld [tilespmem:$0x0];
	_ =	sdelay $0x4  }
0x1a: {  	v4 =	vshrl.u32 v3, $0x3  }
0x1b: {  	v4 =	vmul.u32 $0x30, v4  }
0x1c: {  	v3 =	vand.u32 $0x7, v3  }
0x1d: {  	v3 =	vor.u32 v3, v4  }
0x1e: {  	v4 =	vperm.xlane v3, v0;
	_ =	sdelay $0x1  }
0x1f: {  	v4 =	vadd.s32 v1, v4;
	_ =	sdelay $0x3  }
0x20: {  	s24 =	simm.s32 $0x100;
	v3 =	vperm.xlane v3, v2  }
0x21: {  	[tilespmem:s24], [sflag:$0x1] =	stream.indirect_vreg.gather [hbm4b:s3+s1], $0x80, v4, vm0, $0xb8;
	[tilespmem:$0x18100] =	vst v63  }
0x22: {  	s26 =	simm.s32 $0x900;
	v3 =	vadd.s32 v1, v3  }
0x23: {  	[tilespmem:s26], [sflag:$0x1] =	stream.indirect_vreg.gather [hbm4b:s6+s1], $0x80, v4, vm0, $0xb8;
	[tilespmem:$0x18100] =	vst v63  }
0x24: {  	s30 =	simm.s32 $0x1100  }
0x25: {  	[tilespmem:s30], [sflag:$0x1] =	stream.indirect_vreg.gather [hbm4b:s7+s1], $0x80, v4, vm0, $0xb8;
	[tilespmem:$0x18100] =	vst v63  }
0x26: {  	s25 =	simm.s32 $0x1900  }
0x27: {  	[tilespmem:s25], [sflag:$0x1] =	stream.indirect_vreg.gather [hbm4b:s3+s1], $0x80, v3, vm0, $0xb8;
	[tilespmem:$0x18100] =	vst v63  }
0x28: {  	s26 =	simm.s32 $0x2100  }
0x29: {  	[tilespmem:s26], [sflag:$0x1] =	stream.indirect_vreg.gather [hbm4b:s6+s1], $0x80, v3, vm0, $0xb8;
	[tilespmem:$0x18100] =	vst v63  }
0x2a: {  	s30 =	simm.s32 $0x2900  }
0x2b: {  	[tilespmem:s30], [sflag:$0x1] =	stream.indirect_vreg.gather [hbm4b:s7+s1], $0x80, v3, vm0, $0xb8;
	[tilespmem:$0x18100] =	vst v63  }
0x2c: {  	v3 =	vld [tilespmem:$0x10];
	_ =	sdelay $0x4  }
0x2d: {  	v57 =	vshrl.u32 v3, $0x3  }
0x2e: {  	v4 =	vmul.u32 $0x30, v57  }
0x2f: {  	v3 =	vand.u32 $0x7, v3  }
0x30: {  	v3 =	vor.u32 v3, v4  }
0x31: {  	v4 =	vperm.xlane v3, v0;
	_ =	sdelay $0x1  }
0x32: {  	v4 =	vadd.s32 v1, v4;
	_ =	sdelay $0x3  }
0x33: {  	s25 =	simm.s32 $0x3100;
	v3 =	vperm.xlane v3, v2  }
0x34: {  	[tilespmem:s25], [sflag:$0x1] =	stream.indirect_vreg.gather [hbm4b:s3+s1], $0x80, v4, vm0, $0xb8;
	[tilespmem:$0x18100] =	vst v63  }
0x35: {  	s26 =	simm.s32 $0x3900;
	v3 =	vadd.s32 v1, v3  }
0x36: {  	[tilespmem:s26], [sflag:$0x1] =	stream.indirect_vreg.gather [hbm4b:s6+s1], $0x80, v4, vm0, $0xb8;
	[tilespmem:$0x18100] =	vst v63  }
0x37: {  	s30 =	simm.s32 $0x4100  }
0x38: {  	[tilespmem:s30], [sflag:$0x1] =	stream.indirect_vreg.gather [hbm4b:s7+s1], $0x80, v4, vm0, $0xb8;
	[tilespmem:$0x18100] =	vst v63  }
0x39: {  	s25 =	simm.s32 $0x4900  }
0x3a: {  	[tilespmem:s25], [sflag:$0x1] =	stream.indirect_vreg.gather [hbm4b:s3+s1], $0x80, v3, vm0, $0xb8;
	[tilespmem:$0x18100] =	vst v63  }
0x3b: {  	s26 =	simm.s32 $0x5100  }
0x3c: {  	[tilespmem:s26], [sflag:$0x1] =	stream.indirect_vreg.gather [hbm4b:s6+s1], $0x80, v3, vm0, $0xb8;
	[tilespmem:$0x18100] =	vst v63  }
0x3d: {  	s30 =	simm.s32 $0x5900  }
0x3e: {  	[tilespmem:s30], [sflag:$0x1] =	stream.indirect_vreg.gather [hbm4b:s7+s1], $0x80, v3, vm0, $0xb8;
	[tilespmem:$0x18100] =	vst v63  }
0x3f: {  	v3 =	vld [tilespmem:$0x20];
	_ =	sdelay $0x4  }
0x40: {  	v58 =	vshrl.u32 v3, $0x3  }
0x41: {  	v4 =	vmul.u32 $0x30, v58  }
0x42: {  	v3 =	vand.u32 $0x7, v3  }
0x43: {  	v3 =	vor.u32 v3, v4  }
0x44: {  	v4 =	vperm.xlane v3, v0;
	_ =	sdelay $0x1  }
0x45: {  	v4 =	vadd.s32 v1, v4;
	_ =	sdelay $0x3  }
0x46: {  	s25 =	simm.s32 $0x6100;
	v3 =	vperm.xlane v3, v2  }
0x47: {  	[tilespmem:s25], [sflag:$0x1] =	stream.indirect_vreg.gather [hbm4b:s3+s1], $0x80, v4, vm0, $0xb8;
	[tilespmem:$0x18100] =	vst v63  }
0x48: {  	s26 =	simm.s32 $0x6900;
	v3 =	vadd.s32 v1, v3  }
0x49: {  	[tilespmem:s26], [sflag:$0x1] =	stream.indirect_vreg.gather [hbm4b:s6+s1], $0x80, v4, vm0, $0xb8;
	[tilespmem:$0x18100] =	vst v63  }
0x4a: {  	s30 =	simm.s32 $0x7100  }
0x4b: {  	[tilespmem:s30], [sflag:$0x1] =	stream.indirect_vreg.gather [hbm4b:s7+s1], $0x80, v4, vm0, $0xb8;
	[tilespmem:$0x18100] =	vst v63  }
0x4c: {  	s25 =	simm.s32 $0x7900  }
0x4d: {  	[tilespmem:s25], [sflag:$0x1] =	stream.indirect_vreg.gather [hbm4b:s3+s1], $0x80, v3, vm0, $0xb8;
	[tilespmem:$0x18100] =	vst v63  }
0x4e: {  	s26 =	simm.s32 $0x8100  }
0x4f: {  	[tilespmem:s26], [sflag:$0x1] =	stream.indirect_vreg.gather [hbm4b:s6+s1], $0x80, v3, vm0, $0xb8;
	[tilespmem:$0x18100] =	vst v63  }
0x50: {  	s30 =	simm.s32 $0x8900  }
0x51: {  	[tilespmem:s30], [sflag:$0x1] =	stream.indirect_vreg.gather [hbm4b:s7+s1], $0x80, v3, vm0, $0xb8;
	[tilespmem:$0x18100] =	vst v63  }
0x52: {  	v3 =	vld [tilespmem:$0x30];
	_ =	sdelay $0x4  }
0x53: {  	v59 =	vshrl.u32 v3, $0x3  }
0x54: {  	v4 =	vmul.u32 $0x30, v59  }
0x55: {  	v3 =	vand.u32 $0x7, v3  }
0x56: {  	v3 =	vor.u32 v3, v4  }
0x57: {  	v4 =	vperm.xlane v3, v0;
	_ =	sdelay $0x1  }
0x58: {  	v4 =	vadd.s32 v1, v4;
	_ =	sdelay $0x3  }
0x59: {  	s25 =	simm.s32 $0x9100;
	v3 =	vperm.xlane v3, v2  }
0x5a: {  	[tilespmem:s25], [sflag:$0x1] =	stream.indirect_vreg.gather [hbm4b:s3+s1], $0x80, v4, vm0, $0xb8;
	[tilespmem:$0x18100] =	vst v63  }
0x5b: {  	s26 =	simm.s32 $0x9900;
	v3 =	vadd.s32 v1, v3  }
0x5c: {  	[tilespmem:s26], [sflag:$0x1] =	stream.indirect_vreg.gather [hbm4b:s6+s1], $0x80, v4, vm0, $0xb8;
	[tilespmem:$0x18100] =	vst v63  }
0x5d: {  	s30 =	simm.s32 $0xA100  }
0x5e: {  	[tilespmem:s30], [sflag:$0x1] =	stream.indirect_vreg.gather [hbm4b:s7+s1], $0x80, v4, vm0, $0xb8;
	[tilespmem:$0x18100] =	vst v63  }
0x5f: {  	s25 =	simm.s32 $0xA900  }
0x60: {  	[tilespmem:s25], [sflag:$0x1] =	stream.indirect_vreg.gather [hbm4b:s3+s1], $0x80, v3, vm0, $0xb8;
	[tilespmem:$0x18100] =	vst v63  }
0x61: {  	s26 =	simm.s32 $0xB100  }
0x62: {  	[tilespmem:s26], [sflag:$0x1] =	stream.indirect_vreg.gather [hbm4b:s6+s1], $0x80, v3, vm0, $0xb8;
	[tilespmem:$0x18100] =	vst v63  }
0x63: {  	s30 =	simm.s32 $0xB900  }
0x64: {  	[tilespmem:s30], [sflag:$0x1] =	stream.indirect_vreg.gather [hbm4b:s7+s1], $0x80, v3, vm0, $0xb8;
	[tilespmem:$0x18100] =	vst v63  }
0x65: {  	v3 =	vld [tilespmem:$0x80];
	_ =	sdelay $0x4  }
0x66: {  	v60 =	vshrl.u32 v3, $0x3  }
0x67: {  	v4 =	vmul.u32 $0x30, v60  }
0x68: {  	v3 =	vand.u32 $0x7, v3  }
0x69: {  	v3 =	vor.u32 v3, v4  }
0x6a: {  	v4 =	vperm.xlane v3, v0;
	_ =	sdelay $0x1  }
0x6b: {  	v4 =	vadd.s32 v1, v4;
	_ =	sdelay $0x3  }
0x6c: {  	s25 =	simm.s32 $0xC100;
	v3 =	vperm.xlane v3, v2  }
0x6d: {  	[tilespmem:s25], [sflag:$0x1] =	stream.indirect_vreg.gather [hbm4b:s3+s1], $0x80, v4, vm0, $0xb8;
	[tilespmem:$0x18100] =	vst v63  }
0x6e: {  	s26 =	simm.s32 $0xC900;
	v3 =	vadd.s32 v1, v3  }
0x6f: {  	[tilespmem:s26], [sflag:$0x1] =	stream.indirect_vreg.gather [hbm4b:s6+s1], $0x80, v4, vm0, $0xb8;
	[tilespmem:$0x18100] =	vst v63  }
0x70: {  	s30 =	simm.s32 $0xD100  }
0x71: {  	[tilespmem:s30], [sflag:$0x1] =	stream.indirect_vreg.gather [hbm4b:s7+s1], $0x80, v4, vm0, $0xb8;
	[tilespmem:$0x18100] =	vst v63  }
0x72: {  	s25 =	simm.s32 $0xD900  }
0x73: {  	[tilespmem:s25], [sflag:$0x1] =	stream.indirect_vreg.gather [hbm4b:s3+s1], $0x80, v3, vm0, $0xb8;
	[tilespmem:$0x18100] =	vst v63  }
0x74: {  	s26 =	simm.s32 $0xE100  }
0x75: {  	[tilespmem:s26], [sflag:$0x1] =	stream.indirect_vreg.gather [hbm4b:s6+s1], $0x80, v3, vm0, $0xb8;
	[tilespmem:$0x18100] =	vst v63  }
0x76: {  	s30 =	simm.s32 $0xE900  }
0x77: {  	[tilespmem:s30], [sflag:$0x1] =	stream.indirect_vreg.gather [hbm4b:s7+s1], $0x80, v3, vm0, $0xb8;
	[tilespmem:$0x18100] =	vst v63  }
0x78: {  	v3 =	vld [tilespmem:$0x90];
	_ =	sdelay $0x4  }
0x79: {  	v61 =	vshrl.u32 v3, $0x3  }
0x7a: {  	v4 =	vmul.u32 $0x30, v61  }
0x7b: {  	v3 =	vand.u32 $0x7, v3  }
0x7c: {  	v3 =	vor.u32 v3, v4  }
0x7d: {  	v4 =	vperm.xlane v3, v0;
	_ =	sdelay $0x1  }
0x7e: {  	v4 =	vadd.s32 v1, v4;
	_ =	sdelay $0x3  }
0x7f: {  	s25 =	simm.s32 $0xF100;
	v3 =	vperm.xlane v3, v2  }
0x80: {  	[tilespmem:s25], [sflag:$0x1] =	stream.indirect_vreg.gather [hbm4b:s3+s1], $0x80, v4, vm0, $0xb8;
	[tilespmem:$0x18100] =	vst v63  }
0x81: {  	s26 =	simm.s32 $0xF900;
	v3 =	vadd.s32 v1, v3  }
0x82: {  	[tilespmem:s26], [sflag:$0x1] =	stream.indirect_vreg.gather [hbm4b:s6+s1], $0x80, v4, vm0, $0xb8;
	[tilespmem:$0x18100] =	vst v63  }
0x83: {  	s30 =	simm.s32 $0x10100  }
0x84: {  	[tilespmem:s30], [sflag:$0x1] =	stream.indirect_vreg.gather [hbm4b:s7+s1], $0x80, v4, vm0, $0xb8;
	[tilespmem:$0x18100] =	vst v63  }
0x85: {  	s25 =	simm.s32 $0x10900  }
0x86: {  	[tilespmem:s25], [sflag:$0x1] =	stream.indirect_vreg.gather [hbm4b:s3+s1], $0x80, v3, vm0, $0xb8;
	[tilespmem:$0x18100] =	vst v63  }
0x87: {  	s26 =	simm.s32 $0x11100  }
0x88: {  	[tilespmem:s26], [sflag:$0x1] =	stream.indirect_vreg.gather [hbm4b:s6+s1], $0x80, v3, vm0, $0xb8;
	[tilespmem:$0x18100] =	vst v63  }
0x89: {  	s30 =	simm.s32 $0x11900  }
0x8a: {  	[tilespmem:s30], [sflag:$0x1] =	stream.indirect_vreg.gather [hbm4b:s7+s1], $0x80, v3, vm0, $0xb8;
	[tilespmem:$0x18100] =	vst v63  }
0x8b: {  	v3 =	vld [tilespmem:$0xA0];
	_ =	sdelay $0x4  }
0x8c: {  	v62 =	vshrl.u32 v3, $0x3  }
0x8d: {  	v4 =	vmul.u32 $0x30, v62  }
0x8e: {  	v3 =	vand.u32 $0x7, v3  }
0x8f: {  	v3 =	vor.u32 v3, v4  }
0x90: {  	v4 =	vperm.xlane v3, v0;
	_ =	sdelay $0x1  }
0x91: {  	v4 =	vadd.s32 v1, v4;
	_ =	sdelay $0x3  }
0x92: {  	s25 =	simm.s32 $0x12100;
	v3 =	vperm.xlane v3, v2  }
0x93: {  	[tilespmem:s25], [sflag:$0x1] =	stream.indirect_vreg.gather [hbm4b:s3+s1], $0x80, v4, vm0, $0xb8;
	[tilespmem:$0x18100] =	vst v63  }
0x94: {  	v3 =	vadd.s32 v1, v3  }
0x95: {  	[tilespmem:s31], [sflag:$0x1] =	stream.indirect_vreg.gather [hbm4b:s6+s1], $0x80, v4, vm0, $0xb8;
	[tilespmem:$0x18100] =	vst v63  }
0x96: {  	_ = 	snop  }
0x97: {  	[tilespmem:s0], [sflag:$0x1] =	stream.indirect_vreg.gather [hbm4b:s7+s1], $0x80, v4, vm0, $0xb8;
	[tilespmem:$0x18100] =	vst v63  }
0x98: {  	_ = 	snop  }
0x99: {  	[tilespmem:s2], [sflag:$0x1] =	stream.indirect_vreg.gather [hbm4b:s3+s1], $0x80, v3, vm0, $0xb8;
	[tilespmem:$0x18100] =	vst v63  }
0x9a: {  	_ = 	snop  }
0x9b: {  	[tilespmem:s13], [sflag:$0x1] =	stream.indirect_vreg.gather [hbm4b:s6+s1], $0x80, v3, vm0, $0xb8;
	[tilespmem:$0x18100] =	vst v63  }
0x9c: {  	_ = 	snop  }
0x9d: {  	[tilespmem:s14], [sflag:$0x1] =	stream.indirect_vreg.gather [hbm4b:s7+s1], $0x80, v3, vm0, $0xb8;
	[tilespmem:$0x18100] =	vst v63  }
0x9e: {  	v3 =	vld [tilespmem:$0xB0];
	_ =	sdelay $0x4  }
0x9f: {  	v63 =	vshrl.u32 v3, $0x3  }
0xa0: {  	v4 =	vmul.u32 $0x30, v63  }
0xa1: {  	v3 =	vand.u32 $0x7, v3  }
0xa2: {  	v3 =	vor.u32 v3, v4  }
0xa3: {  	v4 =	vperm.xlane v3, v0;
	_ =	sdelay $0x1  }
0xa4: {  	v4 =	vadd.s32 v1, v4;
	_ =	sdelay $0x3  }
0xa5: {  	v3 =	vperm.xlane v3, v2  }
0xa6: {  	[tilespmem:s15], [sflag:$0x1] =	stream.indirect_vreg.gather [hbm4b:s3+s1], $0x80, v4, vm0, $0xb8;
	[tilespmem:$0x18100] =	vst v63  }
0xa7: {  	v3 =	vadd.s32 v1, v3  }
0xa8: {  	[tilespmem:s16], [sflag:$0x1] =	stream.indirect_vreg.gather [hbm4b:s6+s1], $0x80, v4, vm0, $0xb8;
	[tilespmem:$0x18100] =	vst v63  }
0xa9: {  	_ = 	snop  }
0xaa: {  	[tilespmem:s17], [sflag:$0x1] =	stream.indirect_vreg.gather [hbm4b:s7+s1], $0x80, v4, vm0, $0xb8;
	[tilespmem:$0x18100] =	vst v63  }
0xab: {  	_ = 	snop  }
0xac: {  	[tilespmem:s18], [sflag:$0x1] =	stream.indirect_vreg.gather [hbm4b:s3+s1], $0x80, v3, vm0, $0xb8;
	[tilespmem:$0x18100] =	vst v63  }
0xad: {  	_ = 	snop  }
0xae: {  	[tilespmem:s19], [sflag:$0x1] =	stream.indirect_vreg.gather [hbm4b:s6+s1], $0x80, v3, vm0, $0xb8;
	[tilespmem:$0x18100] =	vst v63  }
0xaf: {  	_ = 	snop  }
0xb0: {  	[tilespmem:s20], [sflag:$0x1] =	stream.indirect_vreg.gather [hbm4b:s7+s1], $0x80, v3, vm0, $0xb8;
	[tilespmem:$0x18100] =	vst v63  }
0xb1: {  	_ =	swait.ge [sflag:s21], $0xC000  }
0xb2: {  	[sflag:s21] =	ssyncset.done $0x0  }
0xb3: {  	s26 =	simm.s32 $0x100;
	[sflag:s21] =	ssyncadd.s32 $0xFFFF4000  }
0xb4: {  	[hbm4b:s8+s12] =	stream.strided.scatter [tilespmem:s26], [sflag:$0x2], $0x400, s22, s12, $0x38;
	[tilespmem:$0x18100] =	vst v63  }
0xb5: {  	s30 =	simm.s32 $0x500;
	s25 =	sadd.s32 $0x10, s8  }
0xb6: {  	[hbm4b:s25+s12] =	stream.strided.scatter [tilespmem:s30], [sflag:$0x2], $0x400, s22, s12, $0x38;
	[tilespmem:$0x18100] =	vst v63  }
0xb7: {  	s26 =	simm.s32 $0x900;
	s30 =	sadd.s32 $0x20, s8  }
0xb8: {  	[hbm4b:s30+s12] =	stream.strided.scatter [tilespmem:s26], [sflag:$0x2], $0x400, s22, s12, $0x38;
	[tilespmem:$0x18100] =	vst v63  }
0xb9: {  	s28 =	simm.s32 $0x1500;
	s26 =	simm.s32 $0xD00;
	s30 =	sadd.s32 $0x30, s8  }
0xba: {  	[hbm4b:s30+s12] =	stream.strided.scatter [tilespmem:s26], [sflag:$0x2], $0x400, s22, s12, $0x38;
	[tilespmem:$0x18100] =	vst v63  }
0xbb: {  	s29 =	sadd.s32 $0x50, s8;
	s26 =	simm.s32 $0x1100;
	s30 =	sadd.s32 $0x40, s8  }
0xbc: {  	[hbm4b:s30+s12] =	stream.strided.scatter [tilespmem:s26], [sflag:$0x2], $0x400, s22, s12, $0x38;
	[tilespmem:$0x18100] =	vst v63  }
0xbd: {  	s24 =	simm.s32 $0x1800;
	s25 =	sadd.s32 $0x300, s8;
	s26 =	simm.s32 $0xC000  }
.LBB2_2:
0xbe: {  	[hbm4b:s29+s12] =	stream.strided.scatter [tilespmem:s28], [sflag:$0x2], $0x400, s22, s12, $0x38;
	[tilespmem:$0x18100] =	vst v63  }
0xbf: {  	s28 =	smov.u32 s24;
	s24 =	smov.u32 s26  }
0xc0: {  	s30 =	sadd.s32 $0x6000, s26;
	s24 =	sshra.s32 s24, $0x2;
	s29 =	sadd.s32 $0x100, s28  }
0xc1: {  	[hbm4b:s25+s12] =	stream.strided.scatter [tilespmem:s29], [sflag:$0x2], $0x400, s22, s12, $0x38;
	[tilespmem:$0x18100] =	vst v63  }
0xc2: {  	p0 =	sne.s32 s26, $0x2A000;
	s26 =	sadd.s32 $0x500, s28;
	s29 =	sadd.s32 $0x10, s25  }
0xc3: {  	[hbm4b:s29+s12] =	stream.strided.scatter [tilespmem:s26], [sflag:$0x2], $0x400, s22, s12, $0x38;
	[tilespmem:$0x18100] =	vst v63  }
0xc4: {  	s26 =	sadd.s32 $0x900, s28;
	s29 =	sadd.s32 $0x20, s25  }
0xc5: {  	[hbm4b:s29+s12] =	stream.strided.scatter [tilespmem:s26], [sflag:$0x2], $0x400, s22, s12, $0x38;
	[tilespmem:$0x18100] =	vst v63  }
.Ltmp0:
0xc6: {  	s26 =	sadd.s32 $0xD00, s28;
	s29 =	sadd.s32 $0x30, s25;
	(pc) =	sbr.rel @p0 .LBB2_2-.Ltmp0, $4  }
0xc7: {  	[hbm4b:s29+s12] =	stream.strided.scatter [tilespmem:s26], [sflag:$0x2], $0x400, s22, s12, $0x38;
	[tilespmem:$0x18100] =	vst v63  }
0xc8: {  	s26 =	sadd.s32 $0x1100, s28;
	s29 =	sadd.s32 $0x40, s25;
	s28 =	sadd.s32 $0x1500, s28  }
0xc9: {  	[hbm4b:s29+s12] =	stream.strided.scatter [tilespmem:s26], [sflag:$0x2], $0x400, s22, s12, $0x38;
	[tilespmem:$0x18100] =	vst v63  }
0xca: {  	s29 =	sadd.s32 $0x50, s25;
	s25 =	sadd.s32 $0x300, s25;
	s26 =	smov.u32 s30  }
0xcb: {  	[hbm4b:s29+s12] =	stream.strided.scatter [tilespmem:s28], [sflag:$0x2], $0x400, s22, s12, $0x38;
	[tilespmem:$0x18100] =	vst v63  }
0xcc: {  	s26 =	sadd.s32 $0x100, s24  }
0xcd: {  	[hbm4b:s25+s12] =	stream.strided.scatter [tilespmem:s26], [sflag:$0x2], $0x400, s22, s12, $0x38;
	[tilespmem:$0x18100] =	vst v63  }
0xce: {  	s30 =	sadd.s32 $0x500, s24;
	s28 =	sadd.s32 $0x10, s25  }
0xcf: {  	[hbm4b:s28+s12] =	stream.strided.scatter [tilespmem:s30], [sflag:$0x2], $0x400, s22, s12, $0x38;
	[tilespmem:$0x18100] =	vst v63  }
0xd0: {  	s30 =	sadd.s32 $0x900, s24;
	s28 =	sadd.s32 $0x20, s25  }
0xd1: {  	[hbm4b:s28+s12] =	stream.strided.scatter [tilespmem:s30], [sflag:$0x2], $0x400, s22, s12, $0x38;
	[tilespmem:$0x18100] =	vst v63  }
0xd2: {  	s30 =	sadd.s32 $0xD00, s24;
	s28 =	sadd.s32 $0x30, s25  }
0xd3: {  	[hbm4b:s28+s12] =	stream.strided.scatter [tilespmem:s30], [sflag:$0x2], $0x400, s22, s12, $0x38;
	[tilespmem:$0x18100] =	vst v63  }
0xd4: {  	s30 =	sadd.s32 $0x1100, s24;
	s28 =	sadd.s32 $0x40, s25  }
0xd5: {  	[hbm4b:s28+s12] =	stream.strided.scatter [tilespmem:s30], [sflag:$0x2], $0x400, s22, s12, $0x38;
	[tilespmem:$0x18100] =	vst v63  }
0xd6: {  	s26 =	sadd.s32 $0x1500, s24;
	s30 =	sadd.s32 $0x50, s25  }
0xd7: {  	[hbm4b:s30+s12] =	stream.strided.scatter [tilespmem:s26], [sflag:$0x2], $0x400, s22, s12, $0x38;
	[tilespmem:$0x18100] =	vst v63  }
0xd8: {  	_ =	swait.ge [sflag:s11], $0xC000  }
0xd9: {  	[sflag:s11] =	ssyncset.done $0x0  }
0xda: {  	[sflag:s11] =	ssyncadd.s32 $0xFFFF4000  }
0xdb: {  	_ =	swait.ge [sflag:s21], $0xC000  }
0xdc: {  	[sflag:s21] =	ssyncset.done $0x0  }
0xdd: {  	s25 =	simm.s32 $0xC100;
	[sflag:s21] =	ssyncadd.s32 $0xFFFF4000  }
0xde: {  	[hbm4b:s9+s12] =	stream.strided.scatter [tilespmem:s25], [sflag:$0x2], $0x400, s22, s12, $0x38;
	[tilespmem:$0x18100] =	vst v63  }
0xdf: {  	s26 =	simm.s32 $0xC500;
	s30 =	sadd.s32 $0x10, s9  }
0xe0: {  	[hbm4b:s30+s12] =	stream.strided.scatter [tilespmem:s26], [sflag:$0x2], $0x400, s22, s12, $0x38;
	[tilespmem:$0x18100] =	vst v63  }
0xe1: {  	s26 =	simm.s32 $0xC900;
	s30 =	sadd.s32 $0x20, s9  }
0xe2: {  	[hbm4b:s30+s12] =	stream.strided.scatter [tilespmem:s26], [sflag:$0x2], $0x400, s22, s12, $0x38;
	[tilespmem:$0x18100] =	vst v63  }
0xe3: {  	s29 =	sadd.s32 $0x50, s9;
	s26 =	simm.s32 $0xCD00;
	s30 =	sadd.s32 $0x30, s9  }
0xe4: {  	[hbm4b:s30+s12] =	stream.strided.scatter [tilespmem:s26], [sflag:$0x2], $0x400, s22, s12, $0x38;
	[tilespmem:$0x18100] =	vst v63  }
0xe5: {  	s24 =	simm.s32 $0x1800;
	s26 =	simm.s32 $0xD100;
	s30 =	sadd.s32 $0x40, s9  }
0xe6: {  	[hbm4b:s30+s12] =	stream.strided.scatter [tilespmem:s26], [sflag:$0x2], $0x400, s22, s12, $0x38;
	[tilespmem:$0x18100] =	vst v63  }
0xe7: {  	s28 =	simm.s32 $0xD500;
	s25 =	sadd.s32 $0x300, s9;
	s26 =	simm.s32 $0xC000  }
.LBB2_4:
0xe8: {  	[hbm4b:s29+s12] =	stream.strided.scatter [tilespmem:s28], [sflag:$0x2], $0x400, s22, s12, $0x38;
	[tilespmem:$0x18100] =	vst v63  }
0xe9: {  	s28 =	smov.u32 s24;
	s24 =	smov.u32 s26  }
0xea: {  	s30 =	sadd.s32 $0x6000, s26;
	s24 =	sshra.s32 s24, $0x2;
	s29 =	sadd.s32 $0xC100, s28  }
0xeb: {  	[hbm4b:s25+s12] =	stream.strided.scatter [tilespmem:s29], [sflag:$0x2], $0x400, s22, s12, $0x38;
	[tilespmem:$0x18100] =	vst v63  }
0xec: {  	p0 =	sne.s32 s26, $0x2A000;
	s26 =	sadd.s32 $0xC500, s28;
	s29 =	sadd.s32 $0x10, s25  }
0xed: {  	[hbm4b:s29+s12] =	stream.strided.scatter [tilespmem:s26], [sflag:$0x2], $0x400, s22, s12, $0x38;
	[tilespmem:$0x18100] =	vst v63  }
0xee: {  	s26 =	sadd.s32 $0xC900, s28;
	s29 =	sadd.s32 $0x20, s25  }
0xef: {  	[hbm4b:s29+s12] =	stream.strided.scatter [tilespmem:s26], [sflag:$0x2], $0x400, s22, s12, $0x38;
	[tilespmem:$0x18100] =	vst v63  }
.Ltmp1:
0xf0: {  	s26 =	sadd.s32 $0xCD00, s28;
	s29 =	sadd.s32 $0x30, s25;
	(pc) =	sbr.rel @p0 .LBB2_4-.Ltmp1, $4  }
0xf1: {  	[hbm4b:s29+s12] =	stream.strided.scatter [tilespmem:s26], [sflag:$0x2], $0x400, s22, s12, $0x38;
	[tilespmem:$0x18100] =	vst v63  }
0xf2: {  	s26 =	sadd.s32 $0xD100, s28;
	s29 =	sadd.s32 $0x40, s25;
	s28 =	sadd.s32 $0xD500, s28  }
0xf3: {  	[hbm4b:s29+s12] =	stream.strided.scatter [tilespmem:s26], [sflag:$0x2], $0x400, s22, s12, $0x38;
	[tilespmem:$0x18100] =	vst v63  }
0xf4: {  	s29 =	sadd.s32 $0x50, s25;
	s25 =	sadd.s32 $0x300, s25;
	s26 =	smov.u32 s30  }
0xf5: {  	[hbm4b:s29+s12] =	stream.strided.scatter [tilespmem:s28], [sflag:$0x2], $0x400, s22, s12, $0x38;
	[tilespmem:$0x18100] =	vst v63  }
0xf6: {  	s26 =	sadd.s32 $0xC100, s24  }
0xf7: {  	[hbm4b:s25+s12] =	stream.strided.scatter [tilespmem:s26], [sflag:$0x2], $0x400, s22, s12, $0x38;
	[tilespmem:$0x18100] =	vst v63  }
0xf8: {  	s29 =	sadd.s32 $0xC500, s24;
	s30 =	sadd.s32 $0x10, s25  }
0xf9: {  	[hbm4b:s30+s12] =	stream.strided.scatter [tilespmem:s29], [sflag:$0x2], $0x400, s22, s12, $0x38;
	[tilespmem:$0x18100] =	vst v63  }
0xfa: {  	s29 =	sadd.s32 $0xC900, s24;
	s30 =	sadd.s32 $0x20, s25  }
0xfb: {  	[hbm4b:s30+s12] =	stream.strided.scatter [tilespmem:s29], [sflag:$0x2], $0x400, s22, s12, $0x38;
	[tilespmem:$0x18100] =	vst v63  }
0xfc: {  	s23 =	sadd.s32 $0x1, s23;
	s29 =	sadd.s32 $0xCD00, s24;
	s30 =	sadd.s32 $0x30, s25  }
0xfd: {  	[hbm4b:s30+s12] =	stream.strided.scatter [tilespmem:s29], [sflag:$0x2], $0x400, s22, s12, $0x38;
	[tilespmem:$0x18100] =	vst v63  }
0xfe: {  	p0 =	sne.s32 s23, s10;
	s29 =	sadd.s32 $0xD100, s24;
	s30 =	sadd.s32 $0x40, s25  }
0xff: {  	[hbm4b:s30+s12] =	stream.strided.scatter [tilespmem:s29], [sflag:$0x2], $0x400, s22, s12, $0x38;
	[tilespmem:$0x18100] =	vst v63  }
.Ltmp2:
0x100: {  	s29 =	sadd.s32 $0xD500, s24;
	s30 =	sadd.s32 $0x50, s25;
	(pc) =	sbr.rel @p0 .LBB2_1-.Ltmp2, $4  }
0x101: {  	[hbm4b:s30+s12] =	stream.strided.scatter [tilespmem:s29], [sflag:$0x2], $0x400, s22, s12, $0x38;
	[tilespmem:$0x18100] =	vst v63  }
0x102: {  	_ =	swait.ge [sflag:s11], $0xC000  }
0x103: {  	[sflag:s11] =	ssyncset.done $0x0  }
0x104: {  	[sflag:s11] =	ssyncadd.s32 $0xFFFF4000  }
0x105: {  	_ =	sfence.sel $0x180000  }
0x106: {  	[bflag:$0x0] =	sbarrier.arrive $0xFFFF  }
0x107: {  	_ =	strace $0x9000004A  }
0x108: {  	s0 =	stileid.u32;
	[bflag:$0x2] =	sbarrier.arrive $0xFFFF  }
0x109: {  	p0 =	sne.s32 s0, $0x0;
	s0 =	rddreg [dreg:$0x2]  }
0x10a: {  	s0 =	sadd.s32 @!p0 $0x100000, s0  }
0x10b: {  	[sflag:s0] =	ssyncadd.tile.s32 @!p0 $0x1;
	_ =	shalt  }
.Lfunc_end2:
_tile_overlayer_lowered:
.L_overlay_start_2:
0x10c: {  	(tag) =	ssettag $0x2  }
0x10d: {  	s0 =	rddreg [dreg:$0x0];
	s2 =	stileid.u32  }
0x10e: {  	s1 =	rddreg [dreg:$0x1];
	p0 =	sne.s32 s2, $0x0  }
0x10f: {  	s3 =	rddreg [dreg:$0x2];
	[bflag:$0x3] =	sbarrier.arrive $0xFFFF;
	s2 =	simm.s32 @!p0 $0x1C02  }
0x110: {  	[timem:s3], [sflag:s2] =	dma.local @!p0 [hbm:s0], s1  }
0x111: {  	s0 =	simm.s32 @!p0 $0x2  }
0x112: {  	_ =	swait.ge @!p0 [sflag:s0], s1  }
0x113: {  	s1 =	ssub.s32 @!p0 $0x0, s1;
	[sflag:s0] =	ssyncset.done @!p0 $0x0  }
0x114: {  	[sflag:s0] =	ssyncadd.s32 @!p0 s1  }
0x115: {  	[bflag:$0x3] =	sbarrier.arrive $0xFFFF  }
0x116: {  	_ =	shalt  }

// kernel: kernel.7.cloned.1.call-start
scs
__scs_entry_jumppad:
0x0: {  	(pc) =	sbr.rel $0x88, $3  }
0x1: {  	(tag) =	ssettag $0x0;
	lr =	simm.s32 $0x1  }
0x2: {  	[smem:$0x3F9B] =	sst lr;
	_ =	strace $0xD0000000  }
0x3: {  	_ = 	snop  }
0x4: {  	_ = 	snop  }
0x5: {  	_ = 	snop  }
0x6: {  	_ = 	snop  }
0x7: {  	_ = 	snop  }
__scs_overlays_trampoline_lowered:
0x8: {  	[smem:$0x3FAA] =	sst s0  }
0x9: {  	[smem:$0x3FAB] =	sst s1  }
0xa: {  	[smem:$0x3FAC] =	sst s2  }
0xb: {  	[smem:$0x3FAD] =	sst s3  }
0xc: {  	[smem:$0x3FAE] =	sst s4  }
0xd: {  	[smem:$0x3FAF] =	sst s5  }
0xe: {  	[smem:$0x3FB0] =	sst s6  }
0xf: {  	[smem:$0x3FB1] =	sst s7  }
0x10: {  	[smem:$0x3FB2] =	sst s8  }
0x11: {  	[smem:$0x3FB3] =	sst s9;
	s0 =	simm.s32 @!p0 $0x0  }
0x12: {  	s1 =	sld [smem:$0x3F99];
	s0 =	simm.s32 @p0 $0x1  }
0x13: {  	[smem:$0x3FB4] =	sst s0;
	s0 =	simm.s32 @!p1 $0x0  }
0x14: {  	s2 =	sld [smem:$0x3F98];
	s0 =	simm.s32 @p1 $0x1  }
0x15: {  	[smem:$0x3FB5] =	sst s0;
	s0 =	simm.s32 @!p2 $0x0  }
0x16: {  	s3 =	sld [smem:$0x3FDB];
	s0 =	simm.s32 @p2 $0x1  }
0x17: {  	s4 =	simm.s32 $0x1BF5;
	[smem:$0x3FB7] =	sst s0  }
0x18: {  	s0 =	sld [smem:$0x3F9A];
	_ =	swait.ge [sflag:s4], $0x0  }
0x19: {  	s7 =	sld [smem:$0x3F9B]  }
0x1a: {  	s8 =	sadd.s32 $0xFFFFE003, lr  }
0x1b: {  	s9 =	sadd.s32 $0xFFFFFEF7, lr;
	s5 =	simm.s32 $0xFFFFFFFF;
	p2 =	slt.u32 s8, $0xFFFFF086  }
0x1c: {  	p1 =	slt.u32 s9, $0xF7A;
	s5 =	simm.s32 @!p2 $0x0  }
0x1d: {  	s5 =	simm.s32 @p1 $0x1;
	p0 =	seq.s32 s7, s2  }
0x1e: {  	s7 =	smul.u32 @!p0 $0xF7A, s2;
	p2 =	seq.s32 @!p0 s5, $0x0  }
0x1f: {  	s9 =	smul.u32 $0xF7A, s1;
	s8 =	simm.s32 @!p0 $0x1BF5;
	p2 =	por !p2, p0  }
0x20: {  	[sflag:s8] =	ssyncset.s32 @!p0 $0xFFFFF086;
	s6 =	sadd.s32 @!p0 s3, s7;
	s7 =	simm.s32 @!p0 $0x108  }
0x21: {  	s3 =	sadd.s32 s3, s9;
	s6 =	sadd.s32 @!p0 $0x88, s6;
	s7 =	simm.s32 @p2 $0x1082  }
0x22: {  	[simem:s7], [sflag:s8] =	dma.local @!p0 [hbm:s6], $0xF7A  }
0x23: {  	s9 =	sor.u32 $0xD0000000, s2;
	s6 =	simm.s32 $0x108;
	_ =	swait.ge @!p0 [sflag:s8], $0x0  }
0x24: {  	s3 =	sadd.s32 $0x88, s3;
	s6 =	simm.s32 @!p1 $0x1082;
	[sflag:s4] =	ssyncset.s32 $0xFFFFF086  }
0x25: {  	[simem:s6], [sflag:s4] =	dma.local [hbm:s3], $0xF7A  }
0x26: {  	[smem:$0x3F9B] =	sst s1;
	(tag) =	ssettag s2;
	_ =	strace s9  }
0x27: {  	s1 =	sld [smem:$0x3FAB]  }
0x28: {  	s2 =	sld [smem:$0x3FAC]  }
0x29: {  	s4 =	sld [smem:$0x3FAE]  }
0x2a: {  	p0 =	seq.s32 s5, $0x0;
	s5 =	sld [smem:$0x3FAF]  }
0x2b: {  	s6 =	sld [smem:$0x3FB0]  }
0x2c: {  	s7 =	sld [smem:$0x3FB1]  }
0x2d: {  	s3 =	simm.s32 $0x108;
	s8 =	sld [smem:$0x3FB2]  }
0x2e: {  	s3 =	simm.s32 @!p0 $0x1082;
	s9 =	sld [smem:$0x3FB3]  }
0x2f: {  	lr =	sadd.s32 s0, s3;
	s0 =	sld [smem:$0x3FAA]  }
0x30: {  	s3 =	sld [smem:$0x3FAD]  }
0x31: {  	[smem:$0x3FB6] =	sst s10  }
0x32: {  	s10 =	sld [smem:$0x3FB4];
	_ =	sdelay $0x3  }
0x33: {  	p0 =	seq.s32 s10, $0x1;
	s10 =	sld [smem:$0x3FB6];
	_ =	sdelay $0x3  }
0x34: {  	[smem:$0x3FB6] =	sst s10  }
0x35: {  	s10 =	sld [smem:$0x3FB5];
	_ =	sdelay $0x3  }
0x36: {  	p1 =	seq.s32 s10, $0x1;
	s10 =	sld [smem:$0x3FB6];
	_ =	sdelay $0x3  }
0x37: {  	[smem:$0x3FB6] =	sst s10  }
0x38: {  	s10 =	sld [smem:$0x3FB7]  }
0x39: {  	_ = 	snop;
	(pc) =	sbr.ind lr, $3  }
0x3a: {  	_ = 	snop  }
0x3b: {  	_ = 	snop  }
0x3c: {  	p2 =	seq.s32 s10, $0x1;
	s10 =	sld [smem:$0x3FB6]  }
0x3d: {  	_ =	shalt  }
0x3e: {  	_ =	shalt  }
0x3f: {  	_ =	shalt  }
0x40: {  	_ =	shalt  }
0x41: {  	_ =	shalt  }
0x42: {  	_ =	shalt  }
0x43: {  	_ =	shalt  }
0x44: {  	_ =	shalt  }
0x45: {  	_ =	shalt  }
0x46: {  	_ =	shalt  }
0x47: {  	_ =	shalt  }
0x48: {  	_ =	shalt  }
0x49: {  	_ =	shalt  }
0x4a: {  	_ =	shalt  }
0x4b: {  	_ =	shalt  }
0x4c: {  	_ =	shalt  }
0x4d: {  	_ =	shalt  }
0x4e: {  	_ =	shalt  }
0x4f: {  	_ =	shalt  }
0x50: {  	_ =	shalt  }
0x51: {  	_ =	shalt  }
0x52: {  	_ =	shalt  }
0x53: {  	_ =	shalt  }
0x54: {  	_ =	shalt  }
0x55: {  	_ =	shalt  }
0x56: {  	_ =	shalt  }
0x57: {  	_ =	shalt  }
0x58: {  	_ =	shalt  }
0x59: {  	_ =	shalt  }
0x5a: {  	_ =	shalt  }
0x5b: {  	_ =	shalt  }
0x5c: {  	_ =	shalt  }
0x5d: {  	_ =	shalt  }
0x5e: {  	_ =	shalt  }
0x5f: {  	_ =	shalt  }
0x60: {  	_ =	shalt  }
0x61: {  	_ =	shalt  }
0x62: {  	_ =	shalt  }
0x63: {  	_ =	shalt  }
0x64: {  	_ =	shalt  }
0x65: {  	_ =	shalt  }
0x66: {  	_ =	shalt  }
0x67: {  	_ =	shalt  }
0x68: {  	_ =	shalt  }
0x69: {  	_ =	shalt  }
0x6a: {  	_ =	shalt  }
0x6b: {  	_ =	shalt  }
0x6c: {  	_ =	shalt  }
0x6d: {  	_ =	shalt  }
0x6e: {  	_ =	shalt  }
0x6f: {  	_ =	shalt  }
0x70: {  	_ =	shalt  }
0x71: {  	_ =	shalt  }
0x72: {  	_ =	shalt  }
0x73: {  	_ =	shalt  }
0x74: {  	_ =	shalt  }
0x75: {  	_ =	shalt  }
0x76: {  	_ =	shalt  }
0x77: {  	_ =	shalt  }
0x78: {  	_ =	shalt  }
0x79: {  	_ =	shalt  }
0x7a: {  	_ =	shalt  }
0x7b: {  	_ =	shalt  }
0x7c: {  	_ =	shalt  }
0x7d: {  	_ =	shalt  }
0x7e: {  	_ =	shalt  }
0x7f: {  	_ =	shalt  }
0x80: {  	_ =	shalt  }
0x81: {  	_ =	shalt  }
0x82: {  	_ =	shalt  }
0x83: {  	_ =	shalt  }
0x84: {  	_ =	shalt  }
0x85: {  	_ =	shalt  }
0x86: {  	_ =	shalt  }
0x87: {  	_ =	shalt  }
.Lfunc_end0:
.L_simem_size_0:
called_computation_lowered:
.L_overlay_start_0:
0x88: {  	s2 =	sld [smem:$0x3FD9]  }
0x89: {  	s3 =	sld [smem:$0x3FFE];
	_ =	sdelay $0x1  }
0x8a: {  	s1 =	srdreg.scid  }
0x8b: {  	s0 =	sand.u32 $0x1, s1  }
0x8c: {  	s17 =	sshll.u32 s0, $0xA;
	s2 =	sadd.s32 s3, s2  }
0x8d: {  	s2 =	sadd.s32 s2, s17  }
0x8e: {  	[smem:$0x3FC2] =	sst s2  }
0x8f: {  	_ = 	snop  }
0x90: {  	s2 =	sld [smem:$0x3FC9];
	(tm) =	ssettm $0x1  }
0x91: {  	s18 =	sld [smem:$0x3FFB];
	_ =	sdelay $0x3  }
0x92: {  	_ =	strace s18  }
0x93: {  	s3 =	sld [smem:$0x3FFC];
	_ =	sdelay $0x3  }
0x94: {  	_ =	strace s3  }
0x95: {  	s3 =	sld [smem:$0x3FFD];
	_ =	sdelay $0x3  }
0x96: {  	_ =	strace s3  }
0x97: {  	_ =	strace $0x8FFFFFFF  }
0x98: {  	s19 =	sld [smem:$0x3FDB];
	_ =	sdelay $0x1  }
0x99: {  	s4 =	simm.s32 $_scs_section_size  }
0x9a: {  	s5 =	simm.s32 $_size__tile_overlayer_lowered;
	s6 =	simm.s32 $_tile_overlayer_lowered  }
0x9b: {  	s22 =	simm.s32 $0x1BFF;
	s21 =	sshll.u32 s6, $0x1;
	s3 =	sadd.s32 s4, s19  }
0x9c: {  	s7 =	simm.s32 $0x0;
	s20 =	sshll.u32 s5, $0x1;
	s5 =	sadd.s32 s21, s3  }
0x9d: {  	[timem:s7], [sflag:s22] =	dma.local [hbm:s5], s20  }
0x9e: {  	_ =	swait.ge [sflag:s22], s20  }
0x9f: {  	s4 =	ssub.s32 $0x0, s20;
	[sflag:s22] =	ssyncset.done $0x0  }
0xa0: {  	[sflag:s22] =	ssyncadd.s32 s4;
	_ =	sdelay $0x1  }
0xa1: {  	s23 =	simm.s32 $0x1B8B  }
0xa2: {  	_ =	swait.ge [sflag:s23], $0x1  }
0xa3: {  	[sflag:s23] =	ssyncset.done $0x0  }
0xa4: {  	s25 =	simm.s32 $0x1B8E;
	s24 =	sld [smem:$0x3FFE];
	[sflag:s23] =	ssyncadd.s32 $0xFFFFFFFF  }
0xa5: {  	s26 =	simm.s32 $execute0_lowered;
	[smem:$0x3FD2] =	sst s25  }
0xa6: {  	s5 =	sshll.u32 s26, $0x1;
	_ =	strace $0x80000046;
	[dreg:$0x1] =	wrdreg $0xFFFFFFFF  }
0xa7: {  	s28 =	simm.s32 $_size_execute0_lowered;
	s3 =	sadd.s32 s3, s5;
	[dreg:$0x0] =	wrdreg $0x0  }
0xa8: {  	s5 =	sshll.u32 s28, $0x1;
	[dreg:$0x2] =	wrdreg s3  }
0xa9: {  	[dreg:$0x3] =	wrdreg s5  }
0xaa: {  	[dreg:$0x4] =	wrdreg $0xC0  }
0xab: {  	_ =	task [dreg:s7], $0x5FFFF  }
0xac: {  	[dreg:$0x1] =	wrdreg $0xFFFFFFFF  }
0xad: {  	[dreg:$0x0] =	wrdreg $0x60  }
0xae: {  	[dreg:$0x2] =	wrdreg s2  }
0xaf: {  	[dreg:$0x3] =	wrdreg s24  }
0xb0: {  	[dreg:$0x4] =	wrdreg $0x9  }
0xb1: {  	_ =	task.clear_ibuf [dreg:s7], $0x5FFFF;
	_ =	strace $0x90000046  }
0xb2: {  	s29 =	simm.s32 $0x9;
	_ =	strace $0x80000048  }
0xb3: {  	_ =	swait.ge [sflag:s29], $0x1  }
0xb4: {  	[sflag:s29] =	ssyncadd.s32 $0xFFFFFFFF  }
0xb5: {  	_ =	strace $0x90000048  }
0xb6: {  	_ =	sfence  }
0xb7: {  	s30 =	sld [smem:$0x0];
	_ =	sdelay $0x2  }
0xb8: {  	s31 =	sshll.u32 s1, $0xD;
	s1 =	sshrl.u32 s1, $0x2  }
0xb9: {  	s3 =	sand.u32 $0x4000, s31;
	s1 =	sadd.s32 s1, s30  }
0xba: {  	s0 =	sor.u32 s3, s0;
	s1 =	sshll.u32 s1, $0x11  }
0xbb: {  	s0 =	sor.u32 s1, s0  }
0xbc: {  	s0 =	sadd.s32 $0x8F2B, s0  }
0xbd: {  	[sflag:s0] =	ssyncadd.remote.s32 $0x1  }
0xbe: {  	_ =	sfence.sel $0xFFFF  }
0xbf: {  	[dreg:$0x0] =	wrdreg $0xFFFFFFFF;
	(pc) =	sbr.abs _section_cstart, $3  }
0xc0: {  	[dreg:$0x1] =	wrdreg $0xFFFFFFFF  }
0xc1: {  	_ =	task.clear_ibuf [dreg:s7], $0x2FFFF;
	_ =	strace $0x9FFFFFFF  }
0xc2: {  	(tm) =	ssettm $0x7FFFFFFF  }
0xc3: {  	_ =	shalt  }
tec
execute0_lowered:
.L_overlay_start_1:
0x0: {  	(tag) =	ssettag $0x1  }
0x1: {  	s0 =	rddreg [dreg:$0x0]  }
0x2: {  	s1 =	rddreg [dreg:$0x1]  }
0x3: {  	s2 =	simm.s32 $0x0;
	s3 =	srdreg.scid;
	s4 =	stileid.u32  }
0x4: {  	s11 =	simm.s32 $0x80;
	s12 =	simm.s32 $0x300;
	s13 =	simm.s32 $0x3  }
0x5: {  	s14 =	simm.s32 $0x1;
	s17 =	simm.s32 $0x13100;
	s18 =	simm.s32 $0x13900  }
0x6: {  	s19 =	simm.s32 $0x14100;
	s20 =	simm.s32 $0x14900;
	s21 =	simm.s32 $0x15100  }
0x7: {  	s22 =	simm.s32 $0x15900;
	s23 =	simm.s32 $0x16100;
	s24 =	simm.s32 $0x16900  }
0x8: {  	s25 =	simm.s32 $0x17100;
	s28 =	simm.s32 $0x2;
	s29 =	simm.s32 $0x0  }
0x9: {  	[smem:$0x7FF] =	sst s2;
	s3 =	sand.u32 $0x1, s3;
	s4 =	sshll.u32 s4, $0x8  }
0xa: {  	s7 =	sadd.s32 $0x1400, s1;
	_ =	strace $0x80000047;
	s5 =	sshll.u32 s3, $0x7  }
0xb: {  	s6 =	ssub.s32 $0x2, s3;
	s3 =	sadd.s32 $0x1600, s1;
	s5 =	sor.u32 s5, s4  }
0xc: {  	s26 =	sshrl.u32 s6, $0x1;
	s8 =	smul.u32 $0x60, s5;
	s9 =	sor.u32 $0x40, s5  }
0xd: {  	s10 =	ssub.s32 s6, s26;
	s31 =	sshrl.u32 s5, $0x3;
	s26 =	simm.s32 $0x17900  }
0xe: {  	v2 =	vlaneseq.u32;
	s30 =	smul.u32 $0x60, s9;
	s9 =	sshrl.u32 s9, $0x3;
	s6 =	sadd.s32 s7, s31  }
0xf: {  	vm0 =	vmmov $0xffff;
	v1 =	vshrl.u32 v2, $0x3;
	s10 =	smax.u32 s10, $0x1;
	s4 =	sadd.s32 s0, s8;
	s7 =	sadd.s32 s7, s9  }
0x10: {  	v0 =	vand.u32 $0x7, v2;
	v2 =	vor.u32 $0x8, v2;
	v1 =	vmul.u32 $0x8, v1;
	s8 =	sadd.s32 $0x1700, s1;
	s9 =	sadd.s32 $0x1800, s1;
	s5 =	sadd.s32 s0, s30  }
.LBB2_1:
0x11: {  	s0 =	simm.s32 $0x100  }
0x12: {  	[tilespmem:s0], [sflag:$0x1] =	stream.strided.gather [hbm4b:s4+s11], $0x400, s12, s11, $0x38;
	[tilespmem:$0x18100] =	vst v63  }
0x13: {  	s16 =	sadd.s32 $0x10, s4;
	s1 =	simm.s32 $0x500  }
0x14: {  	[tilespmem:s1], [sflag:$0x1] =	stream.strided.gather [hbm4b:s16+s11], $0x400, s12, s11, $0x38;
	[tilespmem:$0x18100] =	vst v63  }
0x15: {  	s15 =	sadd.s32 $0x20, s4;
	s16 =	simm.s32 $0x900  }
0x16: {  	[tilespmem:s16], [sflag:$0x1] =	stream.strided.gather [hbm4b:s15+s11], $0x400, s12, s11, $0x38;
	[tilespmem:$0x18100] =	vst v63  }
0x17: {  	s30 =	simm.s32 $0x1800;
	s15 =	sadd.s32 $0x30, s4;
	s16 =	simm.s32 $0xD00  }
0x18: {  	[tilespmem:s16], [sflag:$0x1] =	stream.strided.gather [hbm4b:s15+s11], $0x400, s12, s11, $0x38;
	[tilespmem:$0x18100] =	vst v63  }
0x19: {  	s31 =	sadd.s32 $0x300, s4;
	s15 =	sadd.s32 $0x40, s4;
	s16 =	simm.s32 $0x1100  }
0x1a: {  	[tilespmem:s16], [sflag:$0x1] =	stream.strided.gather [hbm4b:s15+s11], $0x400, s12, s11, $0x38;
	[tilespmem:$0x18100] =	vst v63  }
0x1b: {  	s0 =	simm.s32 $0xC000;
	s1 =	sadd.s32 $0x50, s4;
	s15 =	simm.s32 $0x1500  }
.LBB2_2:
0x1c: {  	[tilespmem:s15], [sflag:$0x1] =	stream.strided.gather [hbm4b:s1+s11], $0x400, s12, s11, $0x38;
	[tilespmem:$0x18100] =	vst v63  }
0x1d: {  	s15 =	smov.u32 s30;
	s1 =	smov.u32 s0  }
0x1e: {  	s16 =	sadd.s32 $0x6000, s0;
	s30 =	sshra.s32 s1, $0x2;
	s1 =	sadd.s32 $0x100, s15  }
0x1f: {  	[tilespmem:s1], [sflag:$0x1] =	stream.strided.gather [hbm4b:s31+s11], $0x400, s12, s11, $0x38;
	[tilespmem:$0x18100] =	vst v63  }
0x20: {  	p0 =	sne.s32 s0, $0x2A000;
	s0 =	sadd.s32 $0x10, s31;
	s1 =	sadd.s32 $0x500, s15  }
0x21: {  	[tilespmem:s1], [sflag:$0x1] =	stream.strided.gather [hbm4b:s0+s11], $0x400, s12, s11, $0x38;
	[tilespmem:$0x18100] =	vst v63  }
0x22: {  	s0 =	sadd.s32 $0x20, s31;
	s1 =	sadd.s32 $0x900, s15  }
0x23: {  	[tilespmem:s1], [sflag:$0x1] =	stream.strided.gather [hbm4b:s0+s11], $0x400, s12, s11, $0x38;
	[tilespmem:$0x18100] =	vst v63  }
.Ltmp0:
0x24: {  	s0 =	sadd.s32 $0x30, s31;
	s1 =	sadd.s32 $0xD00, s15;
	(pc) =	sbr.rel @p0 .LBB2_2-.Ltmp0, $4  }
0x25: {  	[tilespmem:s1], [sflag:$0x1] =	stream.strided.gather [hbm4b:s0+s11], $0x400, s12, s11, $0x38;
	[tilespmem:$0x18100] =	vst v63  }
0x26: {  	s0 =	sadd.s32 $0x40, s31;
	s1 =	sadd.s32 $0x1100, s15;
	s15 =	sadd.s32 $0x1500, s15  }
0x27: {  	[tilespmem:s1], [sflag:$0x1] =	stream.strided.gather [hbm4b:s0+s11], $0x400, s12, s11, $0x38;
	[tilespmem:$0x18100] =	vst v63  }
0x28: {  	s1 =	sadd.s32 $0x50, s31;
	s31 =	sadd.s32 $0x300, s31;
	s0 =	smov.u32 s16  }
0x29: {  	[tilespmem:s15], [sflag:$0x1] =	stream.strided.gather [hbm4b:s1+s11], $0x400, s12, s11, $0x38;
	[tilespmem:$0x18100] =	vst v63  }
0x2a: {  	s0 =	sadd.s32 $0x100, s30  }
0x2b: {  	[tilespmem:s0], [sflag:$0x1] =	stream.strided.gather [hbm4b:s31+s11], $0x400, s12, s11, $0x38;
	[tilespmem:$0x18100] =	vst v63  }
0x2c: {  	s15 =	sadd.s32 $0x10, s31;
	s16 =	sadd.s32 $0x500, s30  }
0x2d: {  	[tilespmem:s16], [sflag:$0x1] =	stream.strided.gather [hbm4b:s15+s11], $0x400, s12, s11, $0x38;
	[tilespmem:$0x18100] =	vst v63  }
0x2e: {  	s15 =	sadd.s32 $0x20, s31;
	s16 =	sadd.s32 $0x900, s30  }
0x2f: {  	[tilespmem:s16], [sflag:$0x1] =	stream.strided.gather [hbm4b:s15+s11], $0x400, s12, s11, $0x38;
	[tilespmem:$0x18100] =	vst v63  }
0x30: {  	s15 =	sadd.s32 $0x30, s31;
	s16 =	sadd.s32 $0xD00, s30  }
0x31: {  	[tilespmem:s16], [sflag:$0x1] =	stream.strided.gather [hbm4b:s15+s11], $0x400, s12, s11, $0x38;
	[tilespmem:$0x18100] =	vst v63  }
0x32: {  	s15 =	sadd.s32 $0x40, s31;
	s16 =	sadd.s32 $0x1100, s30  }
0x33: {  	[tilespmem:s16], [sflag:$0x1] =	stream.strided.gather [hbm4b:s15+s11], $0x400, s12, s11, $0x38;
	[tilespmem:$0x18100] =	vst v63  }
0x34: {  	s15 =	sadd.s32 $0x50, s31;
	s16 =	sadd.s32 $0x1500, s30  }
0x35: {  	[tilespmem:s16], [sflag:$0x1] =	stream.strided.gather [hbm4b:s15+s11], $0x400, s12, s11, $0x38;
	[tilespmem:$0x18100] =	vst v63  }
0x36: {  	s1 =	simm.s32 $0xC100  }
0x37: {  	[tilespmem:s1], [sflag:$0x1] =	stream.strided.gather [hbm4b:s5+s11], $0x400, s12, s11, $0x38;
	[tilespmem:$0x18100] =	vst v63  }
0x38: {  	s15 =	sadd.s32 $0x10, s5;
	s16 =	simm.s32 $0xC500  }
0x39: {  	[tilespmem:s16], [sflag:$0x1] =	stream.strided.gather [hbm4b:s15+s11], $0x400, s12, s11, $0x38;
	[tilespmem:$0x18100] =	vst v63  }
0x3a: {  	s15 =	sadd.s32 $0x20, s5;
	s16 =	simm.s32 $0xC900  }
0x3b: {  	[tilespmem:s16], [sflag:$0x1] =	stream.strided.gather [hbm4b:s15+s11], $0x400, s12, s11, $0x38;
	[tilespmem:$0x18100] =	vst v63  }
0x3c: {  	s0 =	simm.s32 $0xC000;
	s15 =	sadd.s32 $0x30, s5;
	s16 =	simm.s32 $0xCD00  }
0x3d: {  	[tilespmem:s16], [sflag:$0x1] =	stream.strided.gather [hbm4b:s15+s11], $0x400, s12, s11, $0x38;
	[tilespmem:$0x18100] =	vst v63  }
0x3e: {  	s30 =	simm.s32 $0x1800;
	s15 =	sadd.s32 $0x40, s5;
	s16 =	simm.s32 $0xD100  }
0x3f: {  	[tilespmem:s16], [sflag:$0x1] =	stream.strided.gather [hbm4b:s15+s11], $0x400, s12, s11, $0x38;
	[tilespmem:$0x18100] =	vst v63  }
0x40: {  	s31 =	sadd.s32 $0x300, s5;
	s1 =	sadd.s32 $0x50, s5;
	s15 =	simm.s32 $0xD500  }
.LBB2_4:
0x41: {  	[tilespmem:s15], [sflag:$0x1] =	stream.strided.gather [hbm4b:s1+s11], $0x400, s12, s11, $0x38;
	[tilespmem:$0x18100] =	vst v63  }
0x42: {  	s15 =	smov.u32 s30;
	s1 =	smov.u32 s0  }
0x43: {  	s16 =	sadd.s32 $0x6000, s0;
	s30 =	sshra.s32 s1, $0x2;
	s1 =	sadd.s32 $0xC100, s15  }
0x44: {  	[tilespmem:s1], [sflag:$0x1] =	stream.strided.gather [hbm4b:s31+s11], $0x400, s12, s11, $0x38;
	[tilespmem:$0x18100] =	vst v63  }
0x45: {  	p0 =	sne.s32 s0, $0x2A000;
	s0 =	sadd.s32 $0x10, s31;
	s1 =	sadd.s32 $0xC500, s15  }
0x46: {  	[tilespmem:s1], [sflag:$0x1] =	stream.strided.gather [hbm4b:s0+s11], $0x400, s12, s11, $0x38;
	[tilespmem:$0x18100] =	vst v63  }
0x47: {  	s0 =	sadd.s32 $0x20, s31;
	s1 =	sadd.s32 $0xC900, s15  }
0x48: {  	[tilespmem:s1], [sflag:$0x1] =	stream.strided.gather [hbm4b:s0+s11], $0x400, s12, s11, $0x38;
	[tilespmem:$0x18100] =	vst v63  }
.Ltmp1:
0x49: {  	s0 =	sadd.s32 $0x30, s31;
	s1 =	sadd.s32 $0xCD00, s15;
	(pc) =	sbr.rel @p0 .LBB2_4-.Ltmp1, $4  }
0x4a: {  	[tilespmem:s1], [sflag:$0x1] =	stream.strided.gather [hbm4b:s0+s11], $0x400, s12, s11, $0x38;
	[tilespmem:$0x18100] =	vst v63  }
0x4b: {  	s0 =	sadd.s32 $0x40, s31;
	s1 =	sadd.s32 $0xD100, s15;
	s15 =	sadd.s32 $0xD500, s15  }
0x4c: {  	[tilespmem:s1], [sflag:$0x1] =	stream.strided.gather [hbm4b:s0+s11], $0x400, s12, s11, $0x38;
	[tilespmem:$0x18100] =	vst v63  }
0x4d: {  	s1 =	sadd.s32 $0x50, s31;
	s31 =	sadd.s32 $0x300, s31;
	s0 =	smov.u32 s16  }
0x4e: {  	[tilespmem:s15], [sflag:$0x1] =	stream.strided.gather [hbm4b:s1+s11], $0x400, s12, s11, $0x38;
	[tilespmem:$0x18100] =	vst v63  }
0x4f: {  	s0 =	sadd.s32 $0xC100, s30  }
0x50: {  	[tilespmem:s0], [sflag:$0x1] =	stream.strided.gather [hbm4b:s31+s11], $0x400, s12, s11, $0x38;
	[tilespmem:$0x18100] =	vst v63  }
0x51: {  	s15 =	sadd.s32 $0x10, s31;
	s16 =	sadd.s32 $0xC500, s30  }
0x52: {  	[tilespmem:s16], [sflag:$0x1] =	stream.strided.gather [hbm4b:s15+s11], $0x400, s12, s11, $0x38;
	[tilespmem:$0x18100] =	vst v63  }
0x53: {  	s15 =	sadd.s32 $0x20, s31;
	s16 =	sadd.s32 $0xC900, s30  }
0x54: {  	[tilespmem:s16], [sflag:$0x1] =	stream.strided.gather [hbm4b:s15+s11], $0x400, s12, s11, $0x38;
	[tilespmem:$0x18100] =	vst v63  }
0x55: {  	s15 =	sadd.s32 $0x30, s31;
	s16 =	sadd.s32 $0xCD00, s30  }
0x56: {  	[tilespmem:s16], [sflag:$0x1] =	stream.strided.gather [hbm4b:s15+s11], $0x400, s12, s11, $0x38;
	[tilespmem:$0x18100] =	vst v63  }
0x57: {  	s15 =	sadd.s32 $0x40, s31;
	s16 =	sadd.s32 $0xD100, s30  }
0x58: {  	[tilespmem:s16], [sflag:$0x1] =	stream.strided.gather [hbm4b:s15+s11], $0x400, s12, s11, $0x38;
	[tilespmem:$0x18100] =	vst v63  }
0x59: {  	s1 =	sadd.s32 $0x50, s31;
	s15 =	sadd.s32 $0xD500, s30  }
0x5a: {  	[tilespmem:s15], [sflag:$0x1] =	stream.strided.gather [hbm4b:s1+s11], $0x400, s12, s11, $0x38;
	[tilespmem:$0x18100] =	vst v63  }
0x5b: {  	_ = 	snop  }
0x5c: {  	[tilespmem:s2], [sflag:$0x3] =	stream.linear.gather [hbm4b:s6+s2], $0x40, $0x38;
	[tilespmem:$0x18100] =	vst v63  }
0x5d: {  	_ =	swait.ge [sflag:s13], $0x40  }
0x5e: {  	[sflag:s13] =	ssyncset.done $0x0  }
0x5f: {  	[sflag:s13] =	ssyncadd.s32 $0xFFFFFFC0  }
0x60: {  	[tilespmem:s11], [sflag:$0x3] =	stream.linear.gather [hbm4b:s7+s2], $0x40, $0x38;
	[tilespmem:$0x18100] =	vst v63  }
0x61: {  	_ =	swait.ge [sflag:s13], $0x40  }
0x62: {  	[sflag:s13] =	ssyncset.done $0x0  }
0x63: {  	[sflag:s13] =	ssyncadd.s32 $0xFFFFFFC0  }
0x64: {  	_ =	swait.ge [sflag:s14], $0xC000  }
0x65: {  	[sflag:s14] =	ssyncset.done $0x0  }
0x66: {  	[sflag:s14] =	ssyncadd.s32 $0xFFFF4000  }
0x67: {  	v3 =	vld [tilespmem:$0x0];
	_ =	sdelay $0x4  }
0x68: {  	v4 =	vshrl.u32 v3, $0x3  }
0x69: {  	v4 =	vmul.u32 $0x30, v4  }
0x6a: {  	v3 =	vand.u32 $0x7, v3  }
0x6b: {  	v3 =	vor.u32 v3, v4  }
0x6c: {  	v4 =	vperm.xlane v3, v0;
	_ =	sdelay $0x1  }
0x6d: {  	v4 =	vadd.s32 v1, v4;
	_ =	sdelay $0x3  }
0x6e: {  	s16 =	simm.s32 $0x100;
	v3 =	vperm.xlane v3, v2  }
0x6f: {  	[hbm4b:s3+s2] =	stream.indirect_vreg.scatter [tilespmem:s16], [sflag:$0x2], $0x80, v4, vm0, $0xb8;
	[tilespmem:$0x18100] =	vst v63  }
0x70: {  	s30 =	simm.s32 $0x900;
	v3 =	vadd.s32 v1, v3  }
0x71: {  	[hbm4b:s8+s2] =	stream.indirect_vreg.scatter [tilespmem:s30], [sflag:$0x2], $0x80, v4, vm0, $0xb8;
	[tilespmem:$0x18100] =	vst v63  }
0x72: {  	s31 =	simm.s32 $0x1100  }
0x73: {  	[hbm4b:s9+s2] =	stream.indirect_vreg.scatter [tilespmem:s31], [sflag:$0x2], $0x80, v4, vm0, $0xb8;
	[tilespmem:$0x18100] =	vst v63  }
0x74: {  	s1 =	simm.s32 $0x1900  }
0x75: {  	[hbm4b:s3+s2] =	stream.indirect_vreg.scatter [tilespmem:s1], [sflag:$0x2], $0x80, v3, vm0, $0xb8;
	[tilespmem:$0x18100] =	vst v63  }
0x76: {  	s15 =	simm.s32 $0x2100  }
0x77: {  	[hbm4b:s8+s2] =	stream.indirect_vreg.scatter [tilespmem:s15], [sflag:$0x2], $0x80, v3, vm0, $0xb8;
	[tilespmem:$0x18100] =	vst v63  }
0x78: {  	s16 =	simm.s32 $0x2900  }
0x79: {  	[hbm4b:s9+s2] =	stream.indirect_vreg.scatter [tilespmem:s16], [sflag:$0x2], $0x80, v3, vm0, $0xb8;
	[tilespmem:$0x18100] =	vst v63  }
0x7a: {  	v3 =	vld [tilespmem:$0x10];
	_ =	sdelay $0x4  }
0x7b: {  	v57 =	vshrl.u32 v3, $0x3  }
0x7c: {  	v4 =	vmul.u32 $0x30, v57  }
0x7d: {  	v3 =	vand.u32 $0x7, v3  }
0x7e: {  	v3 =	vor.u32 v3, v4  }
0x7f: {  	v4 =	vperm.xlane v3, v0;
	_ =	sdelay $0x1  }
0x80: {  	v4 =	vadd.s32 v1, v4;
	_ =	sdelay $0x3  }
0x81: {  	s30 =	simm.s32 $0x3100;
	v3 =	vperm.xlane v3, v2  }
0x82: {  	[hbm4b:s3+s2] =	stream.indirect_vreg.scatter [tilespmem:s30], [sflag:$0x2], $0x80, v4, vm0, $0xb8;
	[tilespmem:$0x18100] =	vst v63  }
0x83: {  	s31 =	simm.s32 $0x3900;
	v3 =	vadd.s32 v1, v3  }
0x84: {  	[hbm4b:s8+s2] =	stream.indirect_vreg.scatter [tilespmem:s31], [sflag:$0x2], $0x80, v4, vm0, $0xb8;
	[tilespmem:$0x18100] =	vst v63  }
0x85: {  	s1 =	simm.s32 $0x4100  }
0x86: {  	[hbm4b:s9+s2] =	stream.indirect_vreg.scatter [tilespmem:s1], [sflag:$0x2], $0x80, v4, vm0, $0xb8;
	[tilespmem:$0x18100] =	vst v63  }
0x87: {  	s15 =	simm.s32 $0x4900  }
0x88: {  	[hbm4b:s3+s2] =	stream.indirect_vreg.scatter [tilespmem:s15], [sflag:$0x2], $0x80, v3, vm0, $0xb8;
	[tilespmem:$0x18100] =	vst v63  }
0x89: {  	s16 =	simm.s32 $0x5100  }
0x8a: {  	[hbm4b:s8+s2] =	stream.indirect_vreg.scatter [tilespmem:s16], [sflag:$0x2], $0x80, v3, vm0, $0xb8;
	[tilespmem:$0x18100] =	vst v63  }
0x8b: {  	s30 =	simm.s32 $0x5900  }
0x8c: {  	[hbm4b:s9+s2] =	stream.indirect_vreg.scatter [tilespmem:s30], [sflag:$0x2], $0x80, v3, vm0, $0xb8;
	[tilespmem:$0x18100] =	vst v63  }
0x8d: {  	v3 =	vld [tilespmem:$0x20];
	_ =	sdelay $0x4  }
0x8e: {  	v58 =	vshrl.u32 v3, $0x3  }
0x8f: {  	v4 =	vmul.u32 $0x30, v58  }
0x90: {  	v3 =	vand.u32 $0x7, v3  }
0x91: {  	v3 =	vor.u32 v3, v4  }
0x92: {  	v4 =	vperm.xlane v3, v0;
	_ =	sdelay $0x1  }
0x93: {  	v4 =	vadd.s32 v1, v4;
	_ =	sdelay $0x3  }
0x94: {  	s31 =	simm.s32 $0x6100;
	v3 =	vperm.xlane v3, v2  }
0x95: {  	[hbm4b:s3+s2] =	stream.indirect_vreg.scatter [tilespmem:s31], [sflag:$0x2], $0x80, v4, vm0, $0xb8;
	[tilespmem:$0x18100] =	vst v63  }
0x96: {  	s1 =	simm.s32 $0x6900;
	v3 =	vadd.s32 v1, v3  }
0x97: {  	[hbm4b:s8+s2] =	stream.indirect_vreg.scatter [tilespmem:s1], [sflag:$0x2], $0x80, v4, vm0, $0xb8;
	[tilespmem:$0x18100] =	vst v63  }
0x98: {  	s15 =	simm.s32 $0x7100  }
0x99: {  	[hbm4b:s9+s2] =	stream.indirect_vreg.scatter [tilespmem:s15], [sflag:$0x2], $0x80, v4, vm0, $0xb8;
	[tilespmem:$0x18100] =	vst v63  }
0x9a: {  	s16 =	simm.s32 $0x7900  }
0x9b: {  	[hbm4b:s3+s2] =	stream.indirect_vreg.scatter [tilespmem:s16], [sflag:$0x2], $0x80, v3, vm0, $0xb8;
	[tilespmem:$0x18100] =	vst v63  }
0x9c: {  	s30 =	simm.s32 $0x8100  }
0x9d: {  	[hbm4b:s8+s2] =	stream.indirect_vreg.scatter [tilespmem:s30], [sflag:$0x2], $0x80, v3, vm0, $0xb8;
	[tilespmem:$0x18100] =	vst v63  }
0x9e: {  	s31 =	simm.s32 $0x8900  }
0x9f: {  	[hbm4b:s9+s2] =	stream.indirect_vreg.scatter [tilespmem:s31], [sflag:$0x2], $0x80, v3, vm0, $0xb8;
	[tilespmem:$0x18100] =	vst v63  }
0xa0: {  	v3 =	vld [tilespmem:$0x30];
	_ =	sdelay $0x4  }
0xa1: {  	v59 =	vshrl.u32 v3, $0x3  }
0xa2: {  	v4 =	vmul.u32 $0x30, v59  }
0xa3: {  	v3 =	vand.u32 $0x7, v3  }
0xa4: {  	v3 =	vor.u32 v3, v4  }
0xa5: {  	v4 =	vperm.xlane v3, v0;
	_ =	sdelay $0x1  }
0xa6: {  	v4 =	vadd.s32 v1, v4;
	_ =	sdelay $0x3  }
0xa7: {  	s1 =	simm.s32 $0x9100;
	v3 =	vperm.xlane v3, v2  }
0xa8: {  	[hbm4b:s3+s2] =	stream.indirect_vreg.scatter [tilespmem:s1], [sflag:$0x2], $0x80, v4, vm0, $0xb8;
	[tilespmem:$0x18100] =	vst v63  }
0xa9: {  	s15 =	simm.s32 $0x9900;
	v3 =	vadd.s32 v1, v3  }
0xaa: {  	[hbm4b:s8+s2] =	stream.indirect_vreg.scatter [tilespmem:s15], [sflag:$0x2], $0x80, v4, vm0, $0xb8;
	[tilespmem:$0x18100] =	vst v63  }
0xab: {  	s16 =	simm.s32 $0xA100  }
0xac: {  	[hbm4b:s9+s2] =	stream.indirect_vreg.scatter [tilespmem:s16], [sflag:$0x2], $0x80, v4, vm0, $0xb8;
	[tilespmem:$0x18100] =	vst v63  }
0xad: {  	s30 =	simm.s32 $0xA900  }
0xae: {  	[hbm4b:s3+s2] =	stream.indirect_vreg.scatter [tilespmem:s30], [sflag:$0x2], $0x80, v3, vm0, $0xb8;
	[tilespmem:$0x18100] =	vst v63  }
0xaf: {  	s31 =	simm.s32 $0xB100  }
0xb0: {  	[hbm4b:s8+s2] =	stream.indirect_vreg.scatter [tilespmem:s31], [sflag:$0x2], $0x80, v3, vm0, $0xb8;
	[tilespmem:$0x18100] =	vst v63  }
0xb1: {  	s1 =	simm.s32 $0xB900  }
0xb2: {  	[hbm4b:s9+s2] =	stream.indirect_vreg.scatter [tilespmem:s1], [sflag:$0x2], $0x80, v3, vm0, $0xb8;
	[tilespmem:$0x18100] =	vst v63  }
0xb3: {  	_ =	swait.ge [sflag:s14], $0xC000  }
0xb4: {  	[sflag:s14] =	ssyncset.done $0x0  }
0xb5: {  	[sflag:s14] =	ssyncadd.s32 $0xFFFF4000  }
0xb6: {  	v3 =	vld [tilespmem:$0x80];
	_ =	sdelay $0x4  }
0xb7: {  	v60 =	vshrl.u32 v3, $0x3  }
0xb8: {  	v4 =	vmul.u32 $0x30, v60  }
0xb9: {  	v3 =	vand.u32 $0x7, v3  }
0xba: {  	v3 =	vor.u32 v3, v4  }
0xbb: {  	v4 =	vperm.xlane v3, v0;
	_ =	sdelay $0x1  }
0xbc: {  	v4 =	vadd.s32 v1, v4;
	_ =	sdelay $0x3  }
0xbd: {  	s15 =	simm.s32 $0xC100;
	v3 =	vperm.xlane v3, v2  }
0xbe: {  	[hbm4b:s3+s2] =	stream.indirect_vreg.scatter [tilespmem:s15], [sflag:$0x2], $0x80, v4, vm0, $0xb8;
	[tilespmem:$0x18100] =	vst v63  }
0xbf: {  	s16 =	simm.s32 $0xC900;
	v3 =	vadd.s32 v1, v3  }
0xc0: {  	[hbm4b:s8+s2] =	stream.indirect_vreg.scatter [tilespmem:s16], [sflag:$0x2], $0x80, v4, vm0, $0xb8;
	[tilespmem:$0x18100] =	vst v63  }
0xc1: {  	s30 =	simm.s32 $0xD100  }
0xc2: {  	[hbm4b:s9+s2] =	stream.indirect_vreg.scatter [tilespmem:s30], [sflag:$0x2], $0x80, v4, vm0, $0xb8;
	[tilespmem:$0x18100] =	vst v63  }
0xc3: {  	s31 =	simm.s32 $0xD900  }
0xc4: {  	[hbm4b:s3+s2] =	stream.indirect_vreg.scatter [tilespmem:s31], [sflag:$0x2], $0x80, v3, vm0, $0xb8;
	[tilespmem:$0x18100] =	vst v63  }
0xc5: {  	s1 =	simm.s32 $0xE100  }
0xc6: {  	[hbm4b:s8+s2] =	stream.indirect_vreg.scatter [tilespmem:s1], [sflag:$0x2], $0x80, v3, vm0, $0xb8;
	[tilespmem:$0x18100] =	vst v63  }
0xc7: {  	s15 =	simm.s32 $0xE900  }
0xc8: {  	[hbm4b:s9+s2] =	stream.indirect_vreg.scatter [tilespmem:s15], [sflag:$0x2], $0x80, v3, vm0, $0xb8;
	[tilespmem:$0x18100] =	vst v63  }
0xc9: {  	v3 =	vld [tilespmem:$0x90];
	_ =	sdelay $0x4  }
0xca: {  	v61 =	vshrl.u32 v3, $0x3  }
0xcb: {  	v4 =	vmul.u32 $0x30, v61  }
0xcc: {  	v3 =	vand.u32 $0x7, v3  }
0xcd: {  	v3 =	vor.u32 v3, v4  }
0xce: {  	v4 =	vperm.xlane v3, v0;
	_ =	sdelay $0x1  }
0xcf: {  	v4 =	vadd.s32 v1, v4;
	_ =	sdelay $0x3  }
0xd0: {  	s16 =	simm.s32 $0xF100;
	v3 =	vperm.xlane v3, v2  }
0xd1: {  	[hbm4b:s3+s2] =	stream.indirect_vreg.scatter [tilespmem:s16], [sflag:$0x2], $0x80, v4, vm0, $0xb8;
	[tilespmem:$0x18100] =	vst v63  }
0xd2: {  	s30 =	simm.s32 $0xF900;
	v3 =	vadd.s32 v1, v3  }
0xd3: {  	[hbm4b:s8+s2] =	stream.indirect_vreg.scatter [tilespmem:s30], [sflag:$0x2], $0x80, v4, vm0, $0xb8;
	[tilespmem:$0x18100] =	vst v63  }
0xd4: {  	s31 =	simm.s32 $0x10100  }
0xd5: {  	[hbm4b:s9+s2] =	stream.indirect_vreg.scatter [tilespmem:s31], [sflag:$0x2], $0x80, v4, vm0, $0xb8;
	[tilespmem:$0x18100] =	vst v63  }
0xd6: {  	s1 =	simm.s32 $0x10900  }
0xd7: {  	[hbm4b:s3+s2] =	stream.indirect_vreg.scatter [tilespmem:s1], [sflag:$0x2], $0x80, v3, vm0, $0xb8;
	[tilespmem:$0x18100] =	vst v63  }
0xd8: {  	s15 =	simm.s32 $0x11100  }
0xd9: {  	[hbm4b:s8+s2] =	stream.indirect_vreg.scatter [tilespmem:s15], [sflag:$0x2], $0x80, v3, vm0, $0xb8;
	[tilespmem:$0x18100] =	vst v63  }
0xda: {  	s16 =	simm.s32 $0x11900  }
0xdb: {  	[hbm4b:s9+s2] =	stream.indirect_vreg.scatter [tilespmem:s16], [sflag:$0x2], $0x80, v3, vm0, $0xb8;
	[tilespmem:$0x18100] =	vst v63  }
0xdc: {  	v3 =	vld [tilespmem:$0xA0];
	_ =	sdelay $0x4  }
0xdd: {  	v62 =	vshrl.u32 v3, $0x3  }
0xde: {  	v4 =	vmul.u32 $0x30, v62  }
0xdf: {  	v3 =	vand.u32 $0x7, v3  }
0xe0: {  	v3 =	vor.u32 v3, v4  }
0xe1: {  	v4 =	vperm.xlane v3, v0;
	_ =	sdelay $0x1  }
0xe2: {  	v4 =	vadd.s32 v1, v4;
	_ =	sdelay $0x3  }
0xe3: {  	s30 =	simm.s32 $0x12100;
	v3 =	vperm.xlane v3, v2  }
0xe4: {  	[hbm4b:s3+s2] =	stream.indirect_vreg.scatter [tilespmem:s30], [sflag:$0x2], $0x80, v4, vm0, $0xb8;
	[tilespmem:$0x18100] =	vst v63  }
0xe5: {  	s31 =	simm.s32 $0x12900;
	v3 =	vadd.s32 v1, v3  }
0xe6: {  	[hbm4b:s8+s2] =	stream.indirect_vreg.scatter [tilespmem:s31], [sflag:$0x2], $0x80, v4, vm0, $0xb8;
	[tilespmem:$0x18100] =	vst v63  }
0xe7: {  	_ = 	snop  }
0xe8: {  	[hbm4b:s9+s2] =	stream.indirect_vreg.scatter [tilespmem:s17], [sflag:$0x2], $0x80, v4, vm0, $0xb8;
	[tilespmem:$0x18100] =	vst v63  }
0xe9: {  	_ = 	snop  }
0xea: {  	[hbm4b:s3+s2] =	stream.indirect_vreg.scatter [tilespmem:s18], [sflag:$0x2], $0x80, v3, vm0, $0xb8;
	[tilespmem:$0x18100] =	vst v63  }
0xeb: {  	_ = 	snop  }
0xec: {  	[hbm4b:s8+s2] =	stream.indirect_vreg.scatter [tilespmem:s19], [sflag:$0x2], $0x80, v3, vm0, $0xb8;
	[tilespmem:$0x18100] =	vst v63  }
0xed: {  	_ = 	snop  }
0xee: {  	[hbm4b:s9+s2] =	stream.indirect_vreg.scatter [tilespmem:s20], [sflag:$0x2], $0x80, v3, vm0, $0xb8;
	[tilespmem:$0x18100] =	vst v63  }
0xef: {  	v3 =	vld [tilespmem:$0xB0];
	_ =	sdelay $0x4  }
0xf0: {  	v63 =	vshrl.u32 v3, $0x3  }
0xf1: {  	v4 =	vmul.u32 $0x30, v63  }
0xf2: {  	v3 =	vand.u32 $0x7, v3  }
0xf3: {  	v3 =	vor.u32 v3, v4  }
0xf4: {  	v4 =	vperm.xlane v3, v0;
	_ =	sdelay $0x1  }
0xf5: {  	v4 =	vadd.s32 v1, v4;
	_ =	sdelay $0x3  }
0xf6: {  	v3 =	vperm.xlane v3, v2  }
0xf7: {  	[hbm4b:s3+s2] =	stream.indirect_vreg.scatter [tilespmem:s21], [sflag:$0x2], $0x80, v4, vm0, $0xb8;
	[tilespmem:$0x18100] =	vst v63  }
0xf8: {  	v3 =	vadd.s32 v1, v3  }
0xf9: {  	[hbm4b:s8+s2] =	stream.indirect_vreg.scatter [tilespmem:s22], [sflag:$0x2], $0x80, v4, vm0, $0xb8;
	[tilespmem:$0x18100] =	vst v63  }
0xfa: {  	_ = 	snop  }
0xfb: {  	[hbm4b:s9+s2] =	stream.indirect_vreg.scatter [tilespmem:s23], [sflag:$0x2], $0x80, v4, vm0, $0xb8;
	[tilespmem:$0x18100] =	vst v63  }
0xfc: {  	_ = 	snop  }
0xfd: {  	[hbm4b:s3+s2] =	stream.indirect_vreg.scatter [tilespmem:s24], [sflag:$0x2], $0x80, v3, vm0, $0xb8;
	[tilespmem:$0x18100] =	vst v63  }
0xfe: {  	_ = 	snop  }
0xff: {  	[hbm4b:s8+s2] =	stream.indirect_vreg.scatter [tilespmem:s25], [sflag:$0x2], $0x80, v3, vm0, $0xb8;
	[tilespmem:$0x18100] =	vst v63  }
0x100: {  	s29 =	sadd.s32 $0x1, s29  }
0x101: {  	[hbm4b:s9+s2] =	stream.indirect_vreg.scatter [tilespmem:s26], [sflag:$0x2], $0x80, v3, vm0, $0xb8;
	[tilespmem:$0x18100] =	vst v63  }
0x102: {  	p0 =	sne.s32 s29, s10;
	_ =	swait.ge [sflag:s28], $0xC000  }
.Ltmp2:
0x103: {  	[sflag:s28] =	ssyncset.done $0x0;
	(pc) =	sbr.rel @p0 .LBB2_1-.Ltmp2, $4  }
0x104: {  	[sflag:s28] =	ssyncadd.s32 $0xFFFF4000  }
0x105: {  	_ =	swait.ge [sflag:s28], $0xC000  }
0x106: {  	[sflag:s28] =	ssyncset.done $0x0  }
0x107: {  	[sflag:s28] =	ssyncadd.s32 $0xFFFF4000  }
0x108: {  	_ =	sfence.sel $0x180000  }
0x109: {  	[bflag:$0x0] =	sbarrier.arrive $0xFFFF  }
0x10a: {  	_ =	strace $0x90000047  }
0x10b: {  	s0 =	stileid.u32;
	[bflag:$0x2] =	sbarrier.arrive $0xFFFF  }
0x10c: {  	p0 =	sne.s32 s0, $0x0;
	s0 =	rddreg [dreg:$0x2]  }
0x10d: {  	s0 =	sadd.s32 @!p0 $0x100000, s0  }
0x10e: {  	[sflag:s0] =	ssyncadd.tile.s32 @!p0 $0x1;
	_ =	shalt  }
.Lfunc_end2:
_tile_overlayer_lowered:
.L_overlay_start_2:
0x10f: {  	(tag) =	ssettag $0x2  }
0x110: {  	s0 =	rddreg [dreg:$0x0];
	s2 =	stileid.u32  }
0x111: {  	s1 =	rddreg [dreg:$0x1];
	p0 =	sne.s32 s2, $0x0  }
0x112: {  	s3 =	rddreg [dreg:$0x2];
	[bflag:$0x3] =	sbarrier.arrive $0xFFFF;
	s2 =	simm.s32 @!p0 $0x1C03  }
0x113: {  	[timem:s3], [sflag:s2] =	dma.local @!p0 [hbm:s0], s1  }
0x114: {  	s0 =	simm.s32 @!p0 $0x3  }
0x115: {  	_ =	swait.ge @!p0 [sflag:s0], s1  }
0x116: {  	s1 =	ssub.s32 @!p0 $0x0, s1;
	[sflag:s0] =	ssyncset.done @!p0 $0x0  }
0x117: {  	[sflag:s0] =	ssyncadd.s32 @!p0 s1  }
0x118: {  	[bflag:$0x3] =	sbarrier.arrive $0xFFFF  }
0x119: {  	_ =	shalt  }

</sc_bundles>
